<compile_context>
chip_gen: v7x
topology: tpu7x:2x2x1
jax: 0.10.2.dev20260603
libtpu: 0.0.44.dev20260713+nightly
codegen_flags: <defaults>
</compile_context>

<pallas_src>
import jax
import jax.numpy as jnp
from jax import lax
from jax.experimental import pallas as pl
from jax.experimental.pallas import tpu as pltpu
from jax.experimental.pallas import tpu_sc as plsc

K = 4096
DIM = 128
NC = 2
NS = 16
NW = NC * NS
KPW = K // NW
LANES = 16
CHUNKS = DIM // LANES


NCHUNKS_DMA = 8
RPC = KPW // NCHUNKS_DMA


def _sc_dots_body(tgt_hbm, flag_hbm, srcidx_hbm, nnf_hbm, fnf_hbm, emb_hbm,
                  out_hbm, idx_v, rows_v, flag_v, srcidx_v, srcrow_v, tbuf_v,
                  dots_v, sems, src_sem, pre_sems):
    wid = lax.axis_index("s") * NC + lax.axis_index("c")
    base = wid * KPW

    c_idx = pltpu.async_copy(tgt_hbm.at[pl.ds(base, KPW)], idx_v,
                             pre_sems.at[0])
    c_flag = pltpu.async_copy(flag_hbm, flag_v.at[pl.ds(0, 1)], pre_sems.at[1])
    c_src = pltpu.async_copy(srcidx_hbm, srcidx_v, pre_sems.at[2])
    c_src.wait()
    src_copy = pltpu.async_copy(emb_hbm.at[srcidx_v], srcrow_v, src_sem)
    c_idx.wait()
    c_flag.wait()

    flag = flag_v[pl.ds(0, LANES)][0] > 0

    @pl.when(flag)
    def _():
        for k in range(NCHUNKS_DMA):
            pltpu.async_copy(nnf_hbm.at[idx_v.at[pl.ds(k * RPC, RPC)]],
                             rows_v.at[pl.ds(k * RPC, RPC)], sems.at[k])

    @pl.when(jnp.logical_not(flag))
    def _():
        for k in range(NCHUNKS_DMA):
            pltpu.async_copy(fnf_hbm.at[idx_v.at[pl.ds(k * RPC, RPC)]],
                             rows_v.at[pl.ds(k * RPC, RPC)], sems.at[k])

    src_copy.wait()

    s_chunks = [srcrow_v[0, pl.ds(c * LANES, LANES)] for c in range(CHUNKS)]
    lane_ids = lax.iota(jnp.int32, LANES)

    def group_body(g, carry):
        pltpu.make_async_copy(
            nnf_hbm.at[idx_v.at[pl.ds(g * RPC, RPC)]],
            rows_v.at[pl.ds(g * RPC, RPC)], sems.at[g]).wait()

        partials = []
        for i in range(LANES):
            r = g * LANES + i
            prods = [rows_v[r, pl.ds(c * LANES, LANES)] * s_chunks[c]
                     for c in range(CHUNKS)]
            while len(prods) > 1:
                prods = [prods[j] + prods[j + 1]
                         for j in range(0, len(prods) - 1, 2)] + (
                             [prods[-1]] if len(prods) % 2 else [])
            partials.append(prods[0])
        for i in range(LANES):
            plsc.store_scatter(
                tbuf_v, [lane_ids, jnp.full((LANES,), i, jnp.int32)],
                partials[i])
        acc = tbuf_v[0, pl.ds(0, LANES)]
        for i in range(1, LANES):
            acc = acc + tbuf_v[i, pl.ds(0, LANES)]
        dots_v[pl.ds(g * LANES, LANES)] = acc
        return carry

    lax.fori_loop(0, KPW // LANES, group_body, 0)

    pltpu.sync_copy(dots_v, out_hbm.at[pl.ds(base, KPW)])


_sc_dots = pl.kernel(
    _sc_dots_body,
    out_type=jax.ShapeDtypeStruct((K,), jnp.float32),
    mesh=plsc.VectorSubcoreMesh(core_axis_name="c", subcore_axis_name="s"),
    scratch_types=[
        pltpu.VMEM((KPW,), jnp.int32),
        pltpu.VMEM((KPW, DIM), jnp.float32),
        pltpu.VMEM((LANES,), jnp.int32),
        pltpu.VMEM((1,), jnp.int32),
        pltpu.VMEM((1, DIM), jnp.float32),
        pltpu.VMEM((LANES, LANES), jnp.float32),
        pltpu.VMEM((KPW,), jnp.float32),
        pltpu.SemaphoreType.DMA((NCHUNKS_DMA,)),
        pltpu.SemaphoreType.DMA,
        pltpu.SemaphoreType.DMA((3,)),
    ],
    compiler_params=pltpu.CompilerParams(needs_layout_passes=False),
)


def _tc_loss_body(dots_ref, o_ref):
    x = dots_ref[:]
    c = jnp.clip(x, -20.0, 20.0)
    s = jax.nn.sigmoid(c)
    row = lax.broadcasted_iota(jnp.int32, (NW, KPW), 0)
    col = lax.broadcasted_iota(jnp.int32, (NW, KPW), 1)
    first = (row == 0) & (col == 0)
    term = jnp.where(first, jnp.log(s), jnp.log(1.0 - s))
    o_ref[0, 0] = -jnp.sum(term) / float(K)


_tc_loss = pl.pallas_call(
    _tc_loss_body,
    out_shape=jax.ShapeDtypeStruct((1, 1), jnp.float32),
    out_specs=pl.BlockSpec(memory_space=pltpu.SMEM),
)


def kernel(source, target, score, node_embedding, node_noise_factors,
           feature_noise_factors):
    tgt = target.astype(jnp.int32)
    srcidx = source.astype(jnp.int32)
    score_arr = jnp.asarray(score)
    if jnp.issubdtype(score_arr.dtype, jnp.floating):
        score_arr = (score_arr > 0.5).astype(jnp.int32)
    flag1 = jnp.reshape(score_arr.astype(jnp.int32), (1,))
    dots = _sc_dots(tgt, flag1, srcidx, node_noise_factors,
                    feature_noise_factors, node_embedding)
    loss = _tc_loss(dots.reshape(NW, KPW))
    return loss[0, 0]

# --- scband reference (transcript-rebuilt; emitter-appended) ---
"""Pipeline reference for scband-sinelayer-30769145709102 (READ-ONLY COPY).

The authoritative reference and input builder live on the scoring server;
editing this copy changes nothing except your own understanding.
"""

import jax, jax.numpy as jnp
import numpy as np

N_NODES = 100000
N_FEATS = 100000
DIM = 128
NOISE = 4095


def setup_inputs(seed: int = 0) -> dict:
    key = jax.random.key(seed)
    k1, k2, k3, k4, k5 = jax.random.split(key, 5)
    std_n = (2.0 / (N_NODES + DIM)) ** 0.5
    std_f = (2.0 / (N_FEATS + DIM)) ** 0.5
    node_embedding = jax.random.normal(k1, (N_NODES, DIM), dtype=jnp.float32) * std_n
    node_noise_factors = jax.random.normal(k2, (N_NODES, DIM), dtype=jnp.float32) * std_n
    feature_noise_factors = jax.random.normal(k3, (N_FEATS, DIM), dtype=jnp.float32) * std_f
    source = jax.random.randint(k4, (1,), 0, N_NODES)
    target = jax.random.randint(k5, (NOISE + 1,), 0, N_NODES)
    score = 1  # python scalar; score > 0.5 picks node_noise_factors branch
    return {
        "source": source,
        "target": target,
        "score": score,
        "node_embedding": node_embedding,
        "node_noise_factors": node_noise_factors,
        "feature_noise_factors": feature_noise_factors,
    }


def reference(source, target, score, node_embedding, node_noise_factors, feature_noise_factors):
    source_node_vector = jnp.take(node_embedding, source, axis=0)  # [1, D]
    target_matrix = jnp.where(
        score > 0.5,
        jnp.take(node_noise_factors, target, axis=0),  # [K, D]
        jnp.take(feature_noise_factors, target, axis=0),
    )
    scores = target_matrix * source_node_vector
    scores = jnp.sum(scores, axis=1)
    scores = jnp.clip(scores, -20.0, 20.0)
    scores = jax.nn.sigmoid(scores)
    K = target.shape[0]
    targets = jnp.concatenate([jnp.ones((1,), dtype=jnp.float32), jnp.zeros((K - 1,), dtype=jnp.float32)])
    main_loss = targets * jnp.log(scores) + (1.0 - targets) * jnp.log(1.0 - scores)
    main_loss = -jnp.mean(main_loss)
    return main_loss

if __name__ == "__main__":
    import jax
    _d = setup_inputs()
    print(jax.jit(kernel)(*tuple(_d.values())))

</pallas_src>

<mosaic_0001>
#map = affine_map<(d0, d1) -> (0)>
#map1 = affine_map<(d0, d1) -> (0, 0)>
module attributes {stable_mosaic.version = 14 : i64} {
  func.func @_sc_dots_body(%arg0: i32, %arg1: i32, %arg2: memref<4096xi32, #tpu.memory_space<hbm>>, %arg3: memref<1xi32, #tpu.memory_space<hbm>>, %arg4: memref<1xi32, #tpu.memory_space<hbm>>, %arg5: memref<100000x128xf32, #tpu.memory_space<hbm>>, %arg6: memref<100000x128xf32, #tpu.memory_space<hbm>>, %arg7: memref<100000x128xf32, #tpu.memory_space<hbm>>, %arg8: memref<4096xf32, #tpu.memory_space<hbm>>, %arg9: memref<128xi32, #tpu.memory_space<vmem>>, %arg10: memref<128x128xf32, #tpu.memory_space<vmem>>, %arg11: memref<16xi32, #tpu.memory_space<vmem>>, %arg12: memref<1xi32, #tpu.memory_space<vmem>>, %arg13: memref<1x128xf32, #tpu.memory_space<vmem>>, %arg14: memref<16x16xf32, #tpu.memory_space<vmem>>, %arg15: memref<128xf32, #tpu.memory_space<vmem>>, %arg16: memref<8x!tpu.dma_semaphore, #tpu.memory_space<semaphore_mem>>, %arg17: memref<!tpu.dma_semaphore, #tpu.memory_space<semaphore_mem>>, %arg18: memref<3x!tpu.dma_semaphore, #tpu.memory_space<semaphore_mem>>) attributes {dimension_semantics = [#tpu.dimension_semantics<core_parallel>, #tpu.dimension_semantics<subcore_parallel>], iteration_bounds = array<i64: 2, 16>, scalar_prefetch = 0 : i64, scratch_operands = 10 : i64, tpu.core_type = #tpu.core_type<sc_vector_subcore>, window_params = [{transform_indices = #map}, {transform_indices = #map}, {transform_indices = #map}, {transform_indices = #map1}, {transform_indices = #map1}, {transform_indices = #map1}, {transform_indices = #map}]} {
    %mul3A = arith.constant 2 : i32
    %mul3A_0 = arith.muli %arg1, %mul3A : i32
    %add3A = arith.addi %mul3A_0, %arg0 : i32
    %mul3A_1 = arith.constant 128 : i32
    %mul3A_2 = arith.muli %add3A, %mul3A_1 : i32
    %dma_start3A = arith.constant 0 : i32
    %dma_start3A_3 = tpu.memref_slice %arg2[%mul3A_2] : memref<4096xi32, #tpu.memory_space<hbm>> -> memref<128xi32, #tpu.memory_space<hbm>>
    %dma_start3A_4 = tpu.memref_slice %arg18[%dma_start3A] : memref<3x!tpu.dma_semaphore, #tpu.memory_space<semaphore_mem>> -> memref<1x!tpu.dma_semaphore, #tpu.memory_space<semaphore_mem>>
    %dma_start3A_5 = tpu.memref_squeeze %dma_start3A_4 : memref<1x!tpu.dma_semaphore, #tpu.memory_space<semaphore_mem>> -> memref<!tpu.dma_semaphore, #tpu.memory_space<semaphore_mem>>
    %dma_start3A_6 = tpu.memref_slice %arg2[%mul3A_2] : memref<4096xi32, #tpu.memory_space<hbm>> -> memref<128xi32, #tpu.memory_space<hbm>>
    tpu.enqueue_dma source(%dma_start3A_6 : memref<128xi32, #tpu.memory_space<hbm>>) target(%arg9 : memref<128xi32, #tpu.memory_space<vmem>>) target_semaphore(%dma_start3A_5 : memref<!tpu.dma_semaphore, #tpu.memory_space<semaphore_mem>>)
    %dma_start3A_7 = arith.constant 1 : i32
    %dma_start3A_8 = arith.constant 0 : i32
    %dma_start3A_9 = tpu.memref_slice %arg11[%dma_start3A_8] : memref<16xi32, #tpu.memory_space<vmem>> -> memref<1xi32, #tpu.memory_space<vmem>>
    %dma_start3A_10 = tpu.memref_slice %arg18[%dma_start3A_7] : memref<3x!tpu.dma_semaphore, #tpu.memory_space<semaphore_mem>> -> memref<1x!tpu.dma_semaphore, #tpu.memory_space<semaphore_mem>>
    %dma_start3A_11 = tpu.memref_squeeze %dma_start3A_10 : memref<1x!tpu.dma_semaphore, #tpu.memory_space<semaphore_mem>> -> memref<!tpu.dma_semaphore, #tpu.memory_space<semaphore_mem>>
    %dma_start3A_12 = arith.constant 0 : i32
    %dma_start3A_13 = tpu.memref_slice %arg11[%dma_start3A_12] : memref<16xi32, #tpu.memory_space<vmem>> -> memref<1xi32, #tpu.memory_space<vmem>>
    tpu.enqueue_dma source(%arg3 : memref<1xi32, #tpu.memory_space<hbm>>) target(%dma_start3A_13 : memref<1xi32, #tpu.memory_space<vmem>>) target_semaphore(%dma_start3A_11 : memref<!tpu.dma_semaphore, #tpu.memory_space<semaphore_mem>>)
    %dma_start3A_14 = arith.constant 2 : i32
    %dma_start3A_15 = tpu.memref_slice %arg18[%dma_start3A_14] : memref<3x!tpu.dma_semaphore, #tpu.memory_space<semaphore_mem>> -> memref<1x!tpu.dma_semaphore, #tpu.memory_space<semaphore_mem>>
    %dma_start3A_16 = tpu.memref_squeeze %dma_start3A_15 : memref<1x!tpu.dma_semaphore, #tpu.memory_space<semaphore_mem>> -> memref<!tpu.dma_semaphore, #tpu.memory_space<semaphore_mem>>
    tpu.enqueue_dma source(%arg4 : memref<1xi32, #tpu.memory_space<hbm>>) target(%arg12 : memref<1xi32, #tpu.memory_space<vmem>>) target_semaphore(%dma_start3A_16 : memref<!tpu.dma_semaphore, #tpu.memory_space<semaphore_mem>>)
    %dma_wait3A = arith.constant 2 : i32
    %dma_wait3A_17 = tpu.memref_slice %arg18[%dma_wait3A] : memref<3x!tpu.dma_semaphore, #tpu.memory_space<semaphore_mem>> -> memref<1x!tpu.dma_semaphore, #tpu.memory_space<semaphore_mem>>
    %dma_wait3A_18 = tpu.memref_squeeze %dma_wait3A_17 : memref<1x!tpu.dma_semaphore, #tpu.memory_space<semaphore_mem>> -> memref<!tpu.dma_semaphore, #tpu.memory_space<semaphore_mem>>
    tpu.wait_dma2 semaphore(%dma_wait3A_18 : memref<!tpu.dma_semaphore, #tpu.memory_space<semaphore_mem>>) src(%arg4 : memref<1xi32, #tpu.memory_space<hbm>>) dst(%arg12 : memref<1xi32, #tpu.memory_space<vmem>>)
    %dma_start3A_19 = arith.constant 0 : i32
    %dma_start3A_20 = arith.constant 0 : i32
    %dma_start3A_21 = tpu.memref_slice %arg7[%dma_start3A_19, %dma_start3A_20] : memref<100000x128xf32, #tpu.memory_space<hbm>> -> memref<100000x128xf32, #tpu.memory_space<hbm>>
    tpu.enqueue_indirect_dma source(%dma_start3A_21 : memref<100000x128xf32, #tpu.memory_space<hbm>>) target(%arg13 : memref<1x128xf32, #tpu.memory_space<vmem>>) offsets(%arg12 : memref<1xi32, #tpu.memory_space<vmem>>) semaphore(%arg17 : memref<!tpu.dma_semaphore, #tpu.memory_space<semaphore_mem>>)
    %dma_wait3A_22 = arith.constant 0 : i32
    %dma_wait3A_23 = tpu.memref_slice %arg2[%mul3A_2] : memref<4096xi32, #tpu.memory_space<hbm>> -> memref<128xi32, #tpu.memory_space<hbm>>
    %dma_wait3A_24 = tpu.memref_slice %arg18[%dma_wait3A_22] : memref<3x!tpu.dma_semaphore, #tpu.memory_space<semaphore_mem>> -> memref<1x!tpu.dma_semaphore, #tpu.memory_space<semaphore_mem>>
    %dma_wait3A_25 = tpu.memref_squeeze %dma_wait3A_24 : memref<1x!tpu.dma_semaphore, #tpu.memory_space<semaphore_mem>> -> memref<!tpu.dma_semaphore, #tpu.memory_space<semaphore_mem>>
    %dma_wait3A_26 = tpu.memref_slice %arg2[%mul3A_2] : memref<4096xi32, #tpu.memory_space<hbm>> -> memref<128xi32, #tpu.memory_space<hbm>>
    tpu.wait_dma2 semaphore(%dma_wait3A_25 : memref<!tpu.dma_semaphore, #tpu.memory_space<semaphore_mem>>) src(%dma_wait3A_26 : memref<128xi32, #tpu.memory_space<hbm>>) dst(%arg9 : memref<128xi32, #tpu.memory_space<vmem>>)
    %dma_wait3A_27 = arith.constant 1 : i32
    %dma_wait3A_28 = arith.constant 0 : i32
    %dma_wait3A_29 = tpu.memref_slice %arg11[%dma_wait3A_28] : memref<16xi32, #tpu.memory_space<vmem>> -> memref<1xi32, #tpu.memory_space<vmem>>
    %dma_wait3A_30 = tpu.memref_slice %arg18[%dma_wait3A_27] : memref<3x!tpu.dma_semaphore, #tpu.memory_space<semaphore_mem>> -> memref<1x!tpu.dma_semaphore, #tpu.memory_space<semaphore_mem>>
    %dma_wait3A_31 = tpu.memref_squeeze %dma_wait3A_30 : memref<1x!tpu.dma_semaphore, #tpu.memory_space<semaphore_mem>> -> memref<!tpu.dma_semaphore, #tpu.memory_space<semaphore_mem>>
    %dma_wait3A_32 = arith.constant 0 : i32
    %dma_wait3A_33 = tpu.memref_slice %arg11[%dma_wait3A_32] : memref<16xi32, #tpu.memory_space<vmem>> -> memref<1xi32, #tpu.memory_space<vmem>>
    tpu.wait_dma2 semaphore(%dma_wait3A_31 : memref<!tpu.dma_semaphore, #tpu.memory_space<semaphore_mem>>) src(%arg3 : memref<1xi32, #tpu.memory_space<hbm>>) dst(%dma_wait3A_33 : memref<1xi32, #tpu.memory_space<vmem>>)
    %get3A = arith.constant 0 : index
    %get3A_34 = tpu.vector_load %arg11[%get3A] {strides = array<i32>} : memref<16xi32, #tpu.memory_space<vmem>>, vector<16xi32>,
    %slice3A = vector.extract_strided_slice %get3A_34 {offsets = [0], sizes = [1], strides = [1]} : vector<16xi32> to vector<1xi32>
    %squeeze3A = vector.extract %slice3A[0] : i32 from vector<1xi32>
    %gt3A = arith.constant 0 : i32
    %gt3A_35 = arith.cmpi sgt, %squeeze3A, %gt3A : i32
    %convert_element_type3A = arith.extui %gt3A_35 : i1 to i32
    %cond3A = arith.constant 0 : i32
    %cond3A_36 = arith.cmpi ne, %convert_element_type3A, %cond3A : i32
    scf.if %cond3A_36 {
      %dma_start3A_81 = arith.constant 0 : i32
      %dma_start3A_82 = arith.constant 0 : i32
      %dma_start3A_83 = arith.constant 0 : i32
      %dma_start3A_84 = tpu.memref_slice %arg10[%dma_start3A_82, %dma_start3A_83] : memref<128x128xf32, #tpu.memory_space<vmem>> -> memref<16x128xf32, #tpu.memory_space<vmem>>
      %dma_start3A_85 = arith.constant 0 : i32
      %dma_start3A_86 = tpu.memref_slice %arg9[%dma_start3A_85] : memref<128xi32, #tpu.memory_space<vmem>> -> memref<16xi32, #tpu.memory_space<vmem>>
      %dma_start3A_87 = arith.constant 0 : i32
      %dma_start3A_88 = arith.constant 0 : i32
      %dma_start3A_89 = tpu.memref_slice %arg5[%dma_start3A_87, %dma_start3A_88] : memref<100000x128xf32, #tpu.memory_space<hbm>> -> memref<100000x128xf32, #tpu.memory_space<hbm>>
      %dma_start3A_90 = tpu.memref_slice %arg16[%dma_start3A_81] : memref<8x!tpu.dma_semaphore, #tpu.memory_space<semaphore_mem>> -> memref<1x!tpu.dma_semaphore, #tpu.memory_space<semaphore_mem>>
      %dma_start3A_91 = tpu.memref_squeeze %dma_start3A_90 : memref<1x!tpu.dma_semaphore, #tpu.memory_space<semaphore_mem>> -> memref<!tpu.dma_semaphore, #tpu.memory_space<semaphore_mem>>
      tpu.enqueue_indirect_dma source(%dma_start3A_89 : memref<100000x128xf32, #tpu.memory_space<hbm>>) target(%dma_start3A_84 : memref<16x128xf32, #tpu.memory_space<vmem>>) offsets(%dma_start3A_86 : memref<16xi32, #tpu.memory_space<vmem>>) semaphore(%dma_start3A_91 : memref<!tpu.dma_semaphore, #tpu.memory_space<semaphore_mem>>)
      %dma_start3A_92 = arith.constant 1 : i32
      %dma_start3A_93 = arith.constant 16 : i32
      %dma_start3A_94 = arith.constant 0 : i32
      %dma_start3A_95 = tpu.memref_slice %arg10[%dma_start3A_93, %dma_start3A_94] : memref<128x128xf32, #tpu.memory_space<vmem>> -> memref<16x128xf32, #tpu.memory_space<vmem>>
      %dma_start3A_96 = arith.constant 16 : i32
      %dma_start3A_97 = tpu.memref_slice %arg9[%dma_start3A_96] : memref<128xi32, #tpu.memory_space<vmem>> -> memref<16xi32, #tpu.memory_space<vmem>>
      %dma_start3A_98 = arith.constant 0 : i32
      %dma_start3A_99 = arith.constant 0 : i32
      %dma_start3A_100 = tpu.memref_slice %arg5[%dma_start3A_98, %dma_start3A_99] : memref<100000x128xf32, #tpu.memory_space<hbm>> -> memref<100000x128xf32, #tpu.memory_space<hbm>>
      %dma_start3A_101 = tpu.memref_slice %arg16[%dma_start3A_92] : memref<8x!tpu.dma_semaphore, #tpu.memory_space<semaphore_mem>> -> memref<1x!tpu.dma_semaphore, #tpu.memory_space<semaphore_mem>>
      %dma_start3A_102 = tpu.memref_squeeze %dma_start3A_101 : memref<1x!tpu.dma_semaphore, #tpu.memory_space<semaphore_mem>> -> memref<!tpu.dma_semaphore, #tpu.memory_space<semaphore_mem>>
      tpu.enqueue_indirect_dma source(%dma_start3A_100 : memref<100000x128xf32, #tpu.memory_space<hbm>>) target(%dma_start3A_95 : memref<16x128xf32, #tpu.memory_space<vmem>>) offsets(%dma_start3A_97 : memref<16xi32, #tpu.memory_space<vmem>>) semaphore(%dma_start3A_102 : memref<!tpu.dma_semaphore, #tpu.memory_space<semaphore_mem>>)
      %dma_start3A_103 = arith.constant 2 : i32
      %dma_start3A_104 = arith.constant 32 : i32
      %dma_start3A_105 = arith.constant 0 : i32
      %dma_start3A_106 = tpu.memref_slice %arg10[%dma_start3A_104, %dma_start3A_105] : memref<128x128xf32, #tpu.memory_space<vmem>> -> memref<16x128xf32, #tpu.memory_space<vmem>>
      %dma_start3A_107 = arith.constant 32 : i32
      %dma_start3A_108 = tpu.memref_slice %arg9[%dma_start3A_107] : memref<128xi32, #tpu.memory_space<vmem>> -> memref<16xi32, #tpu.memory_space<vmem>>
      %dma_start3A_109 = arith.constant 0 : i32
      %dma_start3A_110 = arith.constant 0 : i32
      %dma_start3A_111 = tpu.memref_slice %arg5[%dma_start3A_109, %dma_start3A_110] : memref<100000x128xf32, #tpu.memory_space<hbm>> -> memref<100000x128xf32, #tpu.memory_space<hbm>>
      %dma_start3A_112 = tpu.memref_slice %arg16[%dma_start3A_103] : memref<8x!tpu.dma_semaphore, #tpu.memory_space<semaphore_mem>> -> memref<1x!tpu.dma_semaphore, #tpu.memory_space<semaphore_mem>>
      %dma_start3A_113 = tpu.memref_squeeze %dma_start3A_112 : memref<1x!tpu.dma_semaphore, #tpu.memory_space<semaphore_mem>> -> memref<!tpu.dma_semaphore, #tpu.memory_space<semaphore_mem>>
      tpu.enqueue_indirect_dma source(%dma_start3A_111 : memref<100000x128xf32, #tpu.memory_space<hbm>>) target(%dma_start3A_106 : memref<16x128xf32, #tpu.memory_space<vmem>>) offsets(%dma_start3A_108 : memref<16xi32, #tpu.memory_space<vmem>>) semaphore(%dma_start3A_113 : memref<!tpu.dma_semaphore, #tpu.memory_space<semaphore_mem>>)
      %dma_start3A_114 = arith.constant 3 : i32
      %dma_start3A_115 = arith.constant 48 : i32
      %dma_start3A_116 = arith.constant 0 : i32
      %dma_start3A_117 = tpu.memref_slice %arg10[%dma_start3A_115, %dma_start3A_116] : memref<128x128xf32, #tpu.memory_space<vmem>> -> memref<16x128xf32, #tpu.memory_space<vmem>>
      %dma_start3A_118 = arith.constant 48 : i32
      %dma_start3A_119 = tpu.memref_slice %arg9[%dma_start3A_118] : memref<128xi32, #tpu.memory_space<vmem>> -> memref<16xi32, #tpu.memory_space<vmem>>
      %dma_start3A_120 = arith.constant 0 : i32
      %dma_start3A_121 = arith.constant 0 : i32
      %dma_start3A_122 = tpu.memref_slice %arg5[%dma_start3A_120, %dma_start3A_121] : memref<100000x128xf32, #tpu.memory_space<hbm>> -> memref<100000x128xf32, #tpu.memory_space<hbm>>
      %dma_start3A_123 = tpu.memref_slice %arg16[%dma_start3A_114] : memref<8x!tpu.dma_semaphore, #tpu.memory_space<semaphore_mem>> -> memref<1x!tpu.dma_semaphore, #tpu.memory_space<semaphore_mem>>
      %dma_start3A_124 = tpu.memref_squeeze %dma_start3A_123 : memref<1x!tpu.dma_semaphore, #tpu.memory_space<semaphore_mem>> -> memref<!tpu.dma_semaphore, #tpu.memory_space<semaphore_mem>>
      tpu.enqueue_indirect_dma source(%dma_start3A_122 : memref<100000x128xf32, #tpu.memory_space<hbm>>) target(%dma_start3A_117 : memref<16x128xf32, #tpu.memory_space<vmem>>) offsets(%dma_start3A_119 : memref<16xi32, #tpu.memory_space<vmem>>) semaphore(%dma_start3A_124 : memref<!tpu.dma_semaphore, #tpu.memory_space<semaphore_mem>>)
      %dma_start3A_125 = arith.constant 4 : i32
      %dma_start3A_126 = arith.constant 64 : i32
      %dma_start3A_127 = arith.constant 0 : i32
      %dma_start3A_128 = tpu.memref_slice %arg10[%dma_start3A_126, %dma_start3A_127] : memref<128x128xf32, #tpu.memory_space<vmem>> -> memref<16x128xf32, #tpu.memory_space<vmem>>
      %dma_start3A_129 = arith.constant 64 : i32
      %dma_start3A_130 = tpu.memref_slice %arg9[%dma_start3A_129] : memref<128xi32, #tpu.memory_space<vmem>> -> memref<16xi32, #tpu.memory_space<vmem>>
      %dma_start3A_131 = arith.constant 0 : i32
      %dma_start3A_132 = arith.constant 0 : i32
      %dma_start3A_133 = tpu.memref_slice %arg5[%dma_start3A_131, %dma_start3A_132] : memref<100000x128xf32, #tpu.memory_space<hbm>> -> memref<100000x128xf32, #tpu.memory_space<hbm>>
      %dma_start3A_134 = tpu.memref_slice %arg16[%dma_start3A_125] : memref<8x!tpu.dma_semaphore, #tpu.memory_space<semaphore_mem>> -> memref<1x!tpu.dma_semaphore, #tpu.memory_space<semaphore_mem>>
      %dma_start3A_135 = tpu.memref_squeeze %dma_start3A_134 : memref<1x!tpu.dma_semaphore, #tpu.memory_space<semaphore_mem>> -> memref<!tpu.dma_semaphore, #tpu.memory_space<semaphore_mem>>
      tpu.enqueue_indirect_dma source(%dma_start3A_133 : memref<100000x128xf32, #tpu.memory_space<hbm>>) target(%dma_start3A_128 : memref<16x128xf32, #tpu.memory_space<vmem>>) offsets(%dma_start3A_130 : memref<16xi32, #tpu.memory_space<vmem>>) semaphore(%dma_start3A_135 : memref<!tpu.dma_semaphore, #tpu.memory_space<semaphore_mem>>)
      %dma_start3A_136 = arith.constant 5 : i32
      %dma_start3A_137 = arith.constant 80 : i32
      %dma_start3A_138 = arith.constant 0 : i32
      %dma_start3A_139 = tpu.memref_slice %arg10[%dma_start3A_137, %dma_start3A_138] : memref<128x128xf32, #tpu.memory_space<vmem>> -> memref<16x128xf32, #tpu.memory_space<vmem>>
      %dma_start3A_140 = arith.constant 80 : i32
      %dma_start3A_141 = tpu.memref_slice %arg9[%dma_start3A_140] : memref<128xi32, #tpu.memory_space<vmem>> -> memref<16xi32, #tpu.memory_space<vmem>>
      %dma_start3A_142 = arith.constant 0 : i32
      %dma_start3A_143 = arith.constant 0 : i32
      %dma_start3A_144 = tpu.memref_slice %arg5[%dma_start3A_142, %dma_start3A_143] : memref<100000x128xf32, #tpu.memory_space<hbm>> -> memref<100000x128xf32, #tpu.memory_space<hbm>>
      %dma_start3A_145 = tpu.memref_slice %arg16[%dma_start3A_136] : memref<8x!tpu.dma_semaphore, #tpu.memory_space<semaphore_mem>> -> memref<1x!tpu.dma_semaphore, #tpu.memory_space<semaphore_mem>>
      %dma_start3A_146 = tpu.memref_squeeze %dma_start3A_145 : memref<1x!tpu.dma_semaphore, #tpu.memory_space<semaphore_mem>> -> memref<!tpu.dma_semaphore, #tpu.memory_space<semaphore_mem>>
      tpu.enqueue_indirect_dma source(%dma_start3A_144 : memref<100000x128xf32, #tpu.memory_space<hbm>>) target(%dma_start3A_139 : memref<16x128xf32, #tpu.memory_space<vmem>>) offsets(%dma_start3A_141 : memref<16xi32, #tpu.memory_space<vmem>>) semaphore(%dma_start3A_146 : memref<!tpu.dma_semaphore, #tpu.memory_space<semaphore_mem>>)
      %dma_start3A_147 = arith.constant 6 : i32
      %dma_start3A_148 = arith.constant 96 : i32
      %dma_start3A_149 = arith.constant 0 : i32
      %dma_start3A_150 = tpu.memref_slice %arg10[%dma_start3A_148, %dma_start3A_149] : memref<128x128xf32, #tpu.memory_space<vmem>> -> memref<16x128xf32, #tpu.memory_space<vmem>>
      %dma_start3A_151 = arith.constant 96 : i32
      %dma_start3A_152 = tpu.memref_slice %arg9[%dma_start3A_151] : memref<128xi32, #tpu.memory_space<vmem>> -> memref<16xi32, #tpu.memory_space<vmem>>
      %dma_start3A_153 = arith.constant 0 : i32
      %dma_start3A_154 = arith.constant 0 : i32
      %dma_start3A_155 = tpu.memref_slice %arg5[%dma_start3A_153, %dma_start3A_154] : memref<100000x128xf32, #tpu.memory_space<hbm>> -> memref<100000x128xf32, #tpu.memory_space<hbm>>
      %dma_start3A_156 = tpu.memref_slice %arg16[%dma_start3A_147] : memref<8x!tpu.dma_semaphore, #tpu.memory_space<semaphore_mem>> -> memref<1x!tpu.dma_semaphore, #tpu.memory_space<semaphore_mem>>
      %dma_start3A_157 = tpu.memref_squeeze %dma_start3A_156 : memref<1x!tpu.dma_semaphore, #tpu.memory_space<semaphore_mem>> -> memref<!tpu.dma_semaphore, #tpu.memory_space<semaphore_mem>>
      tpu.enqueue_indirect_dma source(%dma_start3A_155 : memref<100000x128xf32, #tpu.memory_space<hbm>>) target(%dma_start3A_150 : memref<16x128xf32, #tpu.memory_space<vmem>>) offsets(%dma_start3A_152 : memref<16xi32, #tpu.memory_space<vmem>>) semaphore(%dma_start3A_157 : memref<!tpu.dma_semaphore, #tpu.memory_space<semaphore_mem>>)
      %dma_start3A_158 = arith.constant 7 : i32
      %dma_start3A_159 = arith.constant 112 : i32
      %dma_start3A_160 = arith.constant 0 : i32
      %dma_start3A_161 = tpu.memref_slice %arg10[%dma_start3A_159, %dma_start3A_160] : memref<128x128xf32, #tpu.memory_space<vmem>> -> memref<16x128xf32, #tpu.memory_space<vmem>>
      %dma_start3A_162 = arith.constant 112 : i32
      %dma_start3A_163 = tpu.memref_slice %arg9[%dma_start3A_162] : memref<128xi32, #tpu.memory_space<vmem>> -> memref<16xi32, #tpu.memory_space<vmem>>
      %dma_start3A_164 = arith.constant 0 : i32
      %dma_start3A_165 = arith.constant 0 : i32
      %dma_start3A_166 = tpu.memref_slice %arg5[%dma_start3A_164, %dma_start3A_165] : memref<100000x128xf32, #tpu.memory_space<hbm>> -> memref<100000x128xf32, #tpu.memory_space<hbm>>
      %dma_start3A_167 = tpu.memref_slice %arg16[%dma_start3A_158] : memref<8x!tpu.dma_semaphore, #tpu.memory_space<semaphore_mem>> -> memref<1x!tpu.dma_semaphore, #tpu.memory_space<semaphore_mem>>
      %dma_start3A_168 = tpu.memref_squeeze %dma_start3A_167 : memref<1x!tpu.dma_semaphore, #tpu.memory_space<semaphore_mem>> -> memref<!tpu.dma_semaphore, #tpu.memory_space<semaphore_mem>>
      tpu.enqueue_indirect_dma source(%dma_start3A_166 : memref<100000x128xf32, #tpu.memory_space<hbm>>) target(%dma_start3A_161 : memref<16x128xf32, #tpu.memory_space<vmem>>) offsets(%dma_start3A_163 : memref<16xi32, #tpu.memory_space<vmem>>) semaphore(%dma_start3A_168 : memref<!tpu.dma_semaphore, #tpu.memory_space<semaphore_mem>>)
    } else {
    }
    %not3A = arith.constant true
    %not3A_37 = arith.xori %gt3A_35, %not3A : i1
    %convert_element_type3A_38 = arith.extui %not3A_37 : i1 to i32
    %cond3A_39 = arith.constant 0 : i32
    %cond3A_40 = arith.cmpi ne, %convert_element_type3A_38, %cond3A_39 : i32
    scf.if %cond3A_40 {
      %dma_start3A_81 = arith.constant 0 : i32
      %dma_start3A_82 = arith.constant 0 : i32
      %dma_start3A_83 = arith.constant 0 : i32
      %dma_start3A_84 = tpu.memref_slice %arg10[%dma_start3A_82, %dma_start3A_83] : memref<128x128xf32, #tpu.memory_space<vmem>> -> memref<16x128xf32, #tpu.memory_space<vmem>>
      %dma_start3A_85 = arith.constant 0 : i32
      %dma_start3A_86 = tpu.memref_slice %arg9[%dma_start3A_85] : memref<128xi32, #tpu.memory_space<vmem>> -> memref<16xi32, #tpu.memory_space<vmem>>
      %dma_start3A_87 = arith.constant 0 : i32
      %dma_start3A_88 = arith.constant 0 : i32
      %dma_start3A_89 = tpu.memref_slice %arg6[%dma_start3A_87, %dma_start3A_88] : memref<100000x128xf32, #tpu.memory_space<hbm>> -> memref<100000x128xf32, #tpu.memory_space<hbm>>
      %dma_start3A_90 = tpu.memref_slice %arg16[%dma_start3A_81] : memref<8x!tpu.dma_semaphore, #tpu.memory_space<semaphore_mem>> -> memref<1x!tpu.dma_semaphore, #tpu.memory_space<semaphore_mem>>
      %dma_start3A_91 = tpu.memref_squeeze %dma_start3A_90 : memref<1x!tpu.dma_semaphore, #tpu.memory_space<semaphore_mem>> -> memref<!tpu.dma_semaphore, #tpu.memory_space<semaphore_mem>>
      tpu.enqueue_indirect_dma source(%dma_start3A_89 : memref<100000x128xf32, #tpu.memory_space<hbm>>) target(%dma_start3A_84 : memref<16x128xf32, #tpu.memory_space<vmem>>) offsets(%dma_start3A_86 : memref<16xi32, #tpu.memory_space<vmem>>) semaphore(%dma_start3A_91 : memref<!tpu.dma_semaphore, #tpu.memory_space<semaphore_mem>>)
      %dma_start3A_92 = arith.constant 1 : i32
      %dma_start3A_93 = arith.constant 16 : i32
      %dma_start3A_94 = arith.constant 0 : i32
      %dma_start3A_95 = tpu.memref_slice %arg10[%dma_start3A_93, %dma_start3A_94] : memref<128x128xf32, #tpu.memory_space<vmem>> -> memref<16x128xf32, #tpu.memory_space<vmem>>
      %dma_start3A_96 = arith.constant 16 : i32
      %dma_start3A_97 = tpu.memref_slice %arg9[%dma_start3A_96] : memref<128xi32, #tpu.memory_space<vmem>> -> memref<16xi32, #tpu.memory_space<vmem>>
      %dma_start3A_98 = arith.constant 0 : i32
      %dma_start3A_99 = arith.constant 0 : i32
      %dma_start3A_100 = tpu.memref_slice %arg6[%dma_start3A_98, %dma_start3A_99] : memref<100000x128xf32, #tpu.memory_space<hbm>> -> memref<100000x128xf32, #tpu.memory_space<hbm>>
      %dma_start3A_101 = tpu.memref_slice %arg16[%dma_start3A_92] : memref<8x!tpu.dma_semaphore, #tpu.memory_space<semaphore_mem>> -> memref<1x!tpu.dma_semaphore, #tpu.memory_space<semaphore_mem>>
      %dma_start3A_102 = tpu.memref_squeeze %dma_start3A_101 : memref<1x!tpu.dma_semaphore, #tpu.memory_space<semaphore_mem>> -> memref<!tpu.dma_semaphore, #tpu.memory_space<semaphore_mem>>
      tpu.enqueue_indirect_dma source(%dma_start3A_100 : memref<100000x128xf32, #tpu.memory_space<hbm>>) target(%dma_start3A_95 : memref<16x128xf32, #tpu.memory_space<vmem>>) offsets(%dma_start3A_97 : memref<16xi32, #tpu.memory_space<vmem>>) semaphore(%dma_start3A_102 : memref<!tpu.dma_semaphore, #tpu.memory_space<semaphore_mem>>)
      %dma_start3A_103 = arith.constant 2 : i32
      %dma_start3A_104 = arith.constant 32 : i32
      %dma_start3A_105 = arith.constant 0 : i32
      %dma_start3A_106 = tpu.memref_slice %arg10[%dma_start3A_104, %dma_start3A_105] : memref<128x128xf32, #tpu.memory_space<vmem>> -> memref<16x128xf32, #tpu.memory_space<vmem>>
      %dma_start3A_107 = arith.constant 32 : i32
      %dma_start3A_108 = tpu.memref_slice %arg9[%dma_start3A_107] : memref<128xi32, #tpu.memory_space<vmem>> -> memref<16xi32, #tpu.memory_space<vmem>>
      %dma_start3A_109 = arith.constant 0 : i32
      %dma_start3A_110 = arith.constant 0 : i32
      %dma_start3A_111 = tpu.memref_slice %arg6[%dma_start3A_109, %dma_start3A_110] : memref<100000x128xf32, #tpu.memory_space<hbm>> -> memref<100000x128xf32, #tpu.memory_space<hbm>>
      %dma_start3A_112 = tpu.memref_slice %arg16[%dma_start3A_103] : memref<8x!tpu.dma_semaphore, #tpu.memory_space<semaphore_mem>> -> memref<1x!tpu.dma_semaphore, #tpu.memory_space<semaphore_mem>>
      %dma_start3A_113 = tpu.memref_squeeze %dma_start3A_112 : memref<1x!tpu.dma_semaphore, #tpu.memory_space<semaphore_mem>> -> memref<!tpu.dma_semaphore, #tpu.memory_space<semaphore_mem>>
      tpu.enqueue_indirect_dma source(%dma_start3A_111 : memref<100000x128xf32, #tpu.memory_space<hbm>>) target(%dma_start3A_106 : memref<16x128xf32, #tpu.memory_space<vmem>>) offsets(%dma_start3A_108 : memref<16xi32, #tpu.memory_space<vmem>>) semaphore(%dma_start3A_113 : memref<!tpu.dma_semaphore, #tpu.memory_space<semaphore_mem>>)
      %dma_start3A_114 = arith.constant 3 : i32
      %dma_start3A_115 = arith.constant 48 : i32
      %dma_start3A_116 = arith.constant 0 : i32
      %dma_start3A_117 = tpu.memref_slice %arg10[%dma_start3A_115, %dma_start3A_116] : memref<128x128xf32, #tpu.memory_space<vmem>> -> memref<16x128xf32, #tpu.memory_space<vmem>>
      %dma_start3A_118 = arith.constant 48 : i32
      %dma_start3A_119 = tpu.memref_slice %arg9[%dma_start3A_118] : memref<128xi32, #tpu.memory_space<vmem>> -> memref<16xi32, #tpu.memory_space<vmem>>
      %dma_start3A_120 = arith.constant 0 : i32
      %dma_start3A_121 = arith.constant 0 : i32
      %dma_start3A_122 = tpu.memref_slice %arg6[%dma_start3A_120, %dma_start3A_121] : memref<100000x128xf32, #tpu.memory_space<hbm>> -> memref<100000x128xf32, #tpu.memory_space<hbm>>
      %dma_start3A_123 = tpu.memref_slice %arg16[%dma_start3A_114] : memref<8x!tpu.dma_semaphore, #tpu.memory_space<semaphore_mem>> -> memref<1x!tpu.dma_semaphore, #tpu.memory_space<semaphore_mem>>
      %dma_start3A_124 = tpu.memref_squeeze %dma_start3A_123 : memref<1x!tpu.dma_semaphore, #tpu.memory_space<semaphore_mem>> -> memref<!tpu.dma_semaphore, #tpu.memory_space<semaphore_mem>>
      tpu.enqueue_indirect_dma source(%dma_start3A_122 : memref<100000x128xf32, #tpu.memory_space<hbm>>) target(%dma_start3A_117 : memref<16x128xf32, #tpu.memory_space<vmem>>) offsets(%dma_start3A_119 : memref<16xi32, #tpu.memory_space<vmem>>) semaphore(%dma_start3A_124 : memref<!tpu.dma_semaphore, #tpu.memory_space<semaphore_mem>>)
      %dma_start3A_125 = arith.constant 4 : i32
      %dma_start3A_126 = arith.constant 64 : i32
      %dma_start3A_127 = arith.constant 0 : i32
      %dma_start3A_128 = tpu.memref_slice %arg10[%dma_start3A_126, %dma_start3A_127] : memref<128x128xf32, #tpu.memory_space<vmem>> -> memref<16x128xf32, #tpu.memory_space<vmem>>
      %dma_start3A_129 = arith.constant 64 : i32
      %dma_start3A_130 = tpu.memref_slice %arg9[%dma_start3A_129] : memref<128xi32, #tpu.memory_space<vmem>> -> memref<16xi32, #tpu.memory_space<vmem>>
      %dma_start3A_131 = arith.constant 0 : i32
      %dma_start3A_132 = arith.constant 0 : i32
      %dma_start3A_133 = tpu.memref_slice %arg6[%dma_start3A_131, %dma_start3A_132] : memref<100000x128xf32, #tpu.memory_space<hbm>> -> memref<100000x128xf32, #tpu.memory_space<hbm>>
      %dma_start3A_134 = tpu.memref_slice %arg16[%dma_start3A_125] : memref<8x!tpu.dma_semaphore, #tpu.memory_space<semaphore_mem>> -> memref<1x!tpu.dma_semaphore, #tpu.memory_space<semaphore_mem>>
      %dma_start3A_135 = tpu.memref_squeeze %dma_start3A_134 : memref<1x!tpu.dma_semaphore, #tpu.memory_space<semaphore_mem>> -> memref<!tpu.dma_semaphore, #tpu.memory_space<semaphore_mem>>
      tpu.enqueue_indirect_dma source(%dma_start3A_133 : memref<100000x128xf32, #tpu.memory_space<hbm>>) target(%dma_start3A_128 : memref<16x128xf32, #tpu.memory_space<vmem>>) offsets(%dma_start3A_130 : memref<16xi32, #tpu.memory_space<vmem>>) semaphore(%dma_start3A_135 : memref<!tpu.dma_semaphore, #tpu.memory_space<semaphore_mem>>)
      %dma_start3A_136 = arith.constant 5 : i32
      %dma_start3A_137 = arith.constant 80 : i32
      %dma_start3A_138 = arith.constant 0 : i32
      %dma_start3A_139 = tpu.memref_slice %arg10[%dma_start3A_137, %dma_start3A_138] : memref<128x128xf32, #tpu.memory_space<vmem>> -> memref<16x128xf32, #tpu.memory_space<vmem>>
      %dma_start3A_140 = arith.constant 80 : i32
      %dma_start3A_141 = tpu.memref_slice %arg9[%dma_start3A_140] : memref<128xi32, #tpu.memory_space<vmem>> -> memref<16xi32, #tpu.memory_space<vmem>>
      %dma_start3A_142 = arith.constant 0 : i32
      %dma_start3A_143 = arith.constant 0 : i32
      %dma_start3A_144 = tpu.memref_slice %arg6[%dma_start3A_142, %dma_start3A_143] : memref<100000x128xf32, #tpu.memory_space<hbm>> -> memref<100000x128xf32, #tpu.memory_space<hbm>>
      %dma_start3A_145 = tpu.memref_slice %arg16[%dma_start3A_136] : memref<8x!tpu.dma_semaphore, #tpu.memory_space<semaphore_mem>> -> memref<1x!tpu.dma_semaphore, #tpu.memory_space<semaphore_mem>>
      %dma_start3A_146 = tpu.memref_squeeze %dma_start3A_145 : memref<1x!tpu.dma_semaphore, #tpu.memory_space<semaphore_mem>> -> memref<!tpu.dma_semaphore, #tpu.memory_space<semaphore_mem>>
      tpu.enqueue_indirect_dma source(%dma_start3A_144 : memref<100000x128xf32, #tpu.memory_space<hbm>>) target(%dma_start3A_139 : memref<16x128xf32, #tpu.memory_space<vmem>>) offsets(%dma_start3A_141 : memref<16xi32, #tpu.memory_space<vmem>>) semaphore(%dma_start3A_146 : memref<!tpu.dma_semaphore, #tpu.memory_space<semaphore_mem>>)
      %dma_start3A_147 = arith.constant 6 : i32
      %dma_start3A_148 = arith.constant 96 : i32
      %dma_start3A_149 = arith.constant 0 : i32
      %dma_start3A_150 = tpu.memref_slice %arg10[%dma_start3A_148, %dma_start3A_149] : memref<128x128xf32, #tpu.memory_space<vmem>> -> memref<16x128xf32, #tpu.memory_space<vmem>>
      %dma_start3A_151 = arith.constant 96 : i32
      %dma_start3A_152 = tpu.memref_slice %arg9[%dma_start3A_151] : memref<128xi32, #tpu.memory_space<vmem>> -> memref<16xi32, #tpu.memory_space<vmem>>
      %dma_start3A_153 = arith.constant 0 : i32
      %dma_start3A_154 = arith.constant 0 : i32
      %dma_start3A_155 = tpu.memref_slice %arg6[%dma_start3A_153, %dma_start3A_154] : memref<100000x128xf32, #tpu.memory_space<hbm>> -> memref<100000x128xf32, #tpu.memory_space<hbm>>
      %dma_start3A_156 = tpu.memref_slice %arg16[%dma_start3A_147] : memref<8x!tpu.dma_semaphore, #tpu.memory_space<semaphore_mem>> -> memref<1x!tpu.dma_semaphore, #tpu.memory_space<semaphore_mem>>
      %dma_start3A_157 = tpu.memref_squeeze %dma_start3A_156 : memref<1x!tpu.dma_semaphore, #tpu.memory_space<semaphore_mem>> -> memref<!tpu.dma_semaphore, #tpu.memory_space<semaphore_mem>>
      tpu.enqueue_indirect_dma source(%dma_start3A_155 : memref<100000x128xf32, #tpu.memory_space<hbm>>) target(%dma_start3A_150 : memref<16x128xf32, #tpu.memory_space<vmem>>) offsets(%dma_start3A_152 : memref<16xi32, #tpu.memory_space<vmem>>) semaphore(%dma_start3A_157 : memref<!tpu.dma_semaphore, #tpu.memory_space<semaphore_mem>>)
      %dma_start3A_158 = arith.constant 7 : i32
      %dma_start3A_159 = arith.constant 112 : i32
      %dma_start3A_160 = arith.constant 0 : i32
      %dma_start3A_161 = tpu.memref_slice %arg10[%dma_start3A_159, %dma_start3A_160] : memref<128x128xf32, #tpu.memory_space<vmem>> -> memref<16x128xf32, #tpu.memory_space<vmem>>
      %dma_start3A_162 = arith.constant 112 : i32
      %dma_start3A_163 = tpu.memref_slice %arg9[%dma_start3A_162] : memref<128xi32, #tpu.memory_space<vmem>> -> memref<16xi32, #tpu.memory_space<vmem>>
      %dma_start3A_164 = arith.constant 0 : i32
      %dma_start3A_165 = arith.constant 0 : i32
      %dma_start3A_166 = tpu.memref_slice %arg6[%dma_start3A_164, %dma_start3A_165] : memref<100000x128xf32, #tpu.memory_space<hbm>> -> memref<100000x128xf32, #tpu.memory_space<hbm>>
      %dma_start3A_167 = tpu.memref_slice %arg16[%dma_start3A_158] : memref<8x!tpu.dma_semaphore, #tpu.memory_space<semaphore_mem>> -> memref<1x!tpu.dma_semaphore, #tpu.memory_space<semaphore_mem>>
      %dma_start3A_168 = tpu.memref_squeeze %dma_start3A_167 : memref<1x!tpu.dma_semaphore, #tpu.memory_space<semaphore_mem>> -> memref<!tpu.dma_semaphore, #tpu.memory_space<semaphore_mem>>
      tpu.enqueue_indirect_dma source(%dma_start3A_166 : memref<100000x128xf32, #tpu.memory_space<hbm>>) target(%dma_start3A_161 : memref<16x128xf32, #tpu.memory_space<vmem>>) offsets(%dma_start3A_163 : memref<16xi32, #tpu.memory_space<vmem>>) semaphore(%dma_start3A_168 : memref<!tpu.dma_semaphore, #tpu.memory_space<semaphore_mem>>)
    } else {
    }
    %dma_wait3A_41 = arith.constant 0 : i32
    %dma_wait3A_42 = arith.constant 0 : i32
    %dma_wait3A_43 = tpu.memref_slice %arg7[%dma_wait3A_41, %dma_wait3A_42] : memref<100000x128xf32, #tpu.memory_space<hbm>> -> memref<100000x128xf32, #tpu.memory_space<hbm>>
    tpu.wait_indirect_dma semaphore(%arg17 : memref<!tpu.dma_semaphore, #tpu.memory_space<semaphore_mem>>) src(%dma_wait3A_43 : memref<100000x128xf32, #tpu.memory_space<hbm>>) dst(%arg13 : memref<1x128xf32, #tpu.memory_space<vmem>>)
    %get3A_44 = arith.constant 0 : i32
    %get3A_45 = arith.index_cast %get3A_44 : i32 to index
    %get3A_46 = arith.constant 0 : index
    %get3A_47 = tpu.vector_load %arg13[%get3A_45, %get3A_46] {strides = array<i32>} : memref<1x128xf32, #tpu.memory_space<vmem>>, vector<16xf32>,
    %get3A_48 = arith.constant 0 : i32
    %get3A_49 = arith.index_cast %get3A_48 : i32 to index
    %get3A_50 = arith.constant 16 : index
    %get3A_51 = tpu.vector_load %arg13[%get3A_49, %get3A_50] {strides = array<i32>} : memref<1x128xf32, #tpu.memory_space<vmem>>, vector<16xf32>,
    %get3A_52 = arith.constant 0 : i32
    %get3A_53 = arith.index_cast %get3A_52 : i32 to index
    %get3A_54 = arith.constant 32 : index
    %get3A_55 = tpu.vector_load %arg13[%get3A_53, %get3A_54] {strides = array<i32>} : memref<1x128xf32, #tpu.memory_space<vmem>>, vector<16xf32>,
    %get3A_56 = arith.constant 0 : i32
    %get3A_57 = arith.index_cast %get3A_56 : i32 to index
    %get3A_58 = arith.constant 48 : index
    %get3A_59 = tpu.vector_load %arg13[%get3A_57, %get3A_58] {strides = array<i32>} : memref<1x128xf32, #tpu.memory_space<vmem>>, vector<16xf32>,
    %get3A_60 = arith.constant 0 : i32
    %get3A_61 = arith.index_cast %get3A_60 : i32 to index
    %get3A_62 = arith.constant 64 : index
    %get3A_63 = tpu.vector_load %arg13[%get3A_61, %get3A_62] {strides = array<i32>} : memref<1x128xf32, #tpu.memory_space<vmem>>, vector<16xf32>,
    %get3A_64 = arith.constant 0 : i32
    %get3A_65 = arith.index_cast %get3A_64 : i32 to index
    %get3A_66 = arith.constant 80 : index
    %get3A_67 = tpu.vector_load %arg13[%get3A_65, %get3A_66] {strides = array<i32>} : memref<1x128xf32, #tpu.memory_space<vmem>>, vector<16xf32>,
    %get3A_68 = arith.constant 0 : i32
    %get3A_69 = arith.index_cast %get3A_68 : i32 to index
    %get3A_70 = arith.constant 96 : index
    %get3A_71 = tpu.vector_load %arg13[%get3A_69, %get3A_70] {strides = array<i32>} : memref<1x128xf32, #tpu.memory_space<vmem>>, vector<16xf32>,
    %get3A_72 = arith.constant 0 : i32
    %get3A_73 = arith.index_cast %get3A_72 : i32 to index
    %get3A_74 = arith.constant 112 : index
    %get3A_75 = tpu.vector_load %arg13[%get3A_73, %get3A_74] {strides = array<i32>} : memref<1x128xf32, #tpu.memory_space<vmem>>, vector<16xf32>,
    %iota3A = tpu.iota {dimensions = array<i32: 0>} : vector<16xi32>
    %scan3A = arith.constant 0 : i32
    %scan3A_76 = arith.constant 0 : i32
    %scan3A_77 = arith.constant 8 : i32
    %scan3A_78 = arith.addi %scan3A_76, %scan3A_77 : i32
    %scan3A_79 = arith.constant 1 : i32
    scf.for %scan3A_81 = %scan3A_76 to %scan3A_78 step %scan3A_79  : i32 {
      %mul3A_82 = arith.constant 16 : i32
      %mul3A_83 = arith.muli %scan3A_81, %mul3A_82 : i32
      %mul3A_84 = arith.constant 16 : i32
      %mul3A_85 = arith.muli %scan3A_81, %mul3A_84 : i32
      %dma_wait3A_86 = arith.constant 0 : i32
      %dma_wait3A_87 = tpu.memref_slice %arg10[%mul3A_85, %dma_wait3A_86] : memref<128x128xf32, #tpu.memory_space<vmem>> -> memref<16x128xf32, #tpu.memory_space<vmem>>
      %dma_wait3A_88 = tpu.memref_slice %arg9[%mul3A_83] : memref<128xi32, #tpu.memory_space<vmem>> -> memref<16xi32, #tpu.memory_space<vmem>>
      %dma_wait3A_89 = arith.constant 0 : i32
      %dma_wait3A_90 = arith.constant 0 : i32
      %dma_wait3A_91 = tpu.memref_slice %arg5[%dma_wait3A_89, %dma_wait3A_90] : memref<100000x128xf32, #tpu.memory_space<hbm>> -> memref<100000x128xf32, #tpu.memory_space<hbm>>
      %dma_wait3A_92 = tpu.memref_slice %arg16[%scan3A_81] : memref<8x!tpu.dma_semaphore, #tpu.memory_space<semaphore_mem>> -> memref<1x!tpu.dma_semaphore, #tpu.memory_space<semaphore_mem>>
      %dma_wait3A_93 = tpu.memref_squeeze %dma_wait3A_92 : memref<1x!tpu.dma_semaphore, #tpu.memory_space<semaphore_mem>> -> memref<!tpu.dma_semaphore, #tpu.memory_space<semaphore_mem>>
      tpu.wait_indirect_dma semaphore(%dma_wait3A_93 : memref<!tpu.dma_semaphore, #tpu.memory_space<semaphore_mem>>) src(%dma_wait3A_91 : memref<100000x128xf32, #tpu.memory_space<hbm>>) dst(%dma_wait3A_87 : memref<16x128xf32, #tpu.memory_space<vmem>>)
      %mul3A_94 = arith.constant 16 : i32
      %mul3A_95 = arith.muli %scan3A_81, %mul3A_94 : i32
      %add3A_96 = arith.constant 0 : i32
      %add3A_97 = arith.addi %mul3A_95, %add3A_96 : i32
      %get3A_98 = arith.index_cast %add3A_97 : i32 to index
      %get3A_99 = arith.constant 0 : index
      %get3A_100 = tpu.vector_load %arg10[%get3A_98, %get3A_99] {strides = array<i32>} : memref<128x128xf32, #tpu.memory_space<vmem>>, vector<16xf32>,
      %mul3A_101 = arith.mulf %get3A_100, %get3A_47 : vector<16xf32>
      %get3A_102 = arith.index_cast %add3A_97 : i32 to index
      %get3A_103 = arith.constant 16 : index
      %get3A_104 = tpu.vector_load %arg10[%get3A_102, %get3A_103] {strides = array<i32>} : memref<128x128xf32, #tpu.memory_space<vmem>>, vector<16xf32>,
      %mul3A_105 = arith.mulf %get3A_104, %get3A_51 : vector<16xf32>
      %get3A_106 = arith.index_cast %add3A_97 : i32 to index
      %get3A_107 = arith.constant 32 : index
      %get3A_108 = tpu.vector_load %arg10[%get3A_106, %get3A_107] {strides = array<i32>} : memref<128x128xf32, #tpu.memory_space<vmem>>, vector<16xf32>,
      %mul3A_109 = arith.mulf %get3A_108, %get3A_55 : vector<16xf32>
      %get3A_110 = arith.index_cast %add3A_97 : i32 to index
      %get3A_111 = arith.constant 48 : index
      %get3A_112 = tpu.vector_load %arg10[%get3A_110, %get3A_111] {strides = array<i32>} : memref<128x128xf32, #tpu.memory_space<vmem>>, vector<16xf32>,
      %mul3A_113 = arith.mulf %get3A_112, %get3A_59 : vector<16xf32>
      %get3A_114 = arith.index_cast %add3A_97 : i32 to index
      %get3A_115 = arith.constant 64 : index
      %get3A_116 = tpu.vector_load %arg10[%get3A_114, %get3A_115] {strides = array<i32>} : memref<128x128xf32, #tpu.memory_space<vmem>>, vector<16xf32>,
      %mul3A_117 = arith.mulf %get3A_116, %get3A_63 : vector<16xf32>
      %get3A_118 = arith.index_cast %add3A_97 : i32 to index
      %get3A_119 = arith.constant 80 : index
      %get3A_120 = tpu.vector_load %arg10[%get3A_118, %get3A_119] {strides = array<i32>} : memref<128x128xf32, #tpu.memory_space<vmem>>, vector<16xf32>,
      %mul3A_121 = arith.mulf %get3A_120, %get3A_67 : vector<16xf32>
      %get3A_122 = arith.index_cast %add3A_97 : i32 to index
      %get3A_123 = arith.constant 96 : index
      %get3A_124 = tpu.vector_load %arg10[%get3A_122, %get3A_123] {strides = array<i32>} : memref<128x128xf32, #tpu.memory_space<vmem>>, vector<16xf32>,
      %mul3A_125 = arith.mulf %get3A_124, %get3A_71 : vector<16xf32>
      %get3A_126 = arith.index_cast %add3A_97 : i32 to index
      %get3A_127 = arith.constant 112 : index
      %get3A_128 = tpu.vector_load %arg10[%get3A_126, %get3A_127] {strides = array<i32>} : memref<128x128xf32, #tpu.memory_space<vmem>>, vector<16xf32>,
      %mul3A_129 = arith.mulf %get3A_128, %get3A_75 : vector<16xf32>
      %add3A_130 = arith.addf %mul3A_101, %mul3A_105 : vector<16xf32>
      %add3A_131 = arith.addf %mul3A_109, %mul3A_113 : vector<16xf32>
      %add3A_132 = arith.addf %mul3A_117, %mul3A_121 : vector<16xf32>
      %add3A_133 = arith.addf %mul3A_125, %mul3A_129 : vector<16xf32>
      %add3A_134 = arith.addf %add3A_130, %add3A_131 : vector<16xf32>
      %add3A_135 = arith.addf %add3A_132, %add3A_133 : vector<16xf32>
      %add3A_136 = arith.addf %add3A_134, %add3A_135 : vector<16xf32>
      %mul3A_137 = arith.constant 16 : i32
      %mul3A_138 = arith.muli %scan3A_81, %mul3A_137 : i32
      %add3A_139 = arith.constant 1 : i32
      %add3A_140 = arith.addi %mul3A_138, %add3A_139 : i32
      %get3A_141 = arith.index_cast %add3A_140 : i32 to index
      %get3A_142 = arith.constant 0 : index
      %get3A_143 = tpu.vector_load %arg10[%get3A_141, %get3A_142] {strides = array<i32>} : memref<128x128xf32, #tpu.memory_space<vmem>>, vector<16xf32>,
      %mul3A_144 = arith.mulf %get3A_143, %get3A_47 : vector<16xf32>
      %get3A_145 = arith.index_cast %add3A_140 : i32 to index
      %get3A_146 = arith.constant 16 : index
      %get3A_147 = tpu.vector_load %arg10[%get3A_145, %get3A_146] {strides = array<i32>} : memref<128x128xf32, #tpu.memory_space<vmem>>, vector<16xf32>,
      %mul3A_148 = arith.mulf %get3A_147, %get3A_51 : vector<16xf32>
      %get3A_149 = arith.index_cast %add3A_140 : i32 to index
      %get3A_150 = arith.constant 32 : index
      %get3A_151 = tpu.vector_load %arg10[%get3A_149, %get3A_150] {strides = array<i32>} : memref<128x128xf32, #tpu.memory_space<vmem>>, vector<16xf32>,
      %mul3A_152 = arith.mulf %get3A_151, %get3A_55 : vector<16xf32>
      %get3A_153 = arith.index_cast %add3A_140 : i32 to index
      %get3A_154 = arith.constant 48 : index
      %get3A_155 = tpu.vector_load %arg10[%get3A_153, %get3A_154] {strides = array<i32>} : memref<128x128xf32, #tpu.memory_space<vmem>>, vector<16xf32>,
      %mul3A_156 = arith.mulf %get3A_155, %get3A_59 : vector<16xf32>
      %get3A_157 = arith.index_cast %add3A_140 : i32 to index
      %get3A_158 = arith.constant 64 : index
      %get3A_159 = tpu.vector_load %arg10[%get3A_157, %get3A_158] {strides = array<i32>} : memref<128x128xf32, #tpu.memory_space<vmem>>, vector<16xf32>,
      %mul3A_160 = arith.mulf %get3A_159, %get3A_63 : vector<16xf32>
      %get3A_161 = arith.index_cast %add3A_140 : i32 to index
      %get3A_162 = arith.constant 80 : index
      %get3A_163 = tpu.vector_load %arg10[%get3A_161, %get3A_162] {strides = array<i32>} : memref<128x128xf32, #tpu.memory_space<vmem>>, vector<16xf32>,
      %mul3A_164 = arith.mulf %get3A_163, %get3A_67 : vector<16xf32>
      %get3A_165 = arith.index_cast %add3A_140 : i32 to index
      %get3A_166 = arith.constant 96 : index
      %get3A_167 = tpu.vector_load %arg10[%get3A_165, %get3A_166] {strides = array<i32>} : memref<128x128xf32, #tpu.memory_space<vmem>>, vector<16xf32>,
      %mul3A_168 = arith.mulf %get3A_167, %get3A_71 : vector<16xf32>
      %get3A_169 = arith.index_cast %add3A_140 : i32 to index
      %get3A_170 = arith.constant 112 : index
      %get3A_171 = tpu.vector_load %arg10[%get3A_169, %get3A_170] {strides = array<i32>} : memref<128x128xf32, #tpu.memory_space<vmem>>, vector<16xf32>,
      %mul3A_172 = arith.mulf %get3A_171, %get3A_75 : vector<16xf32>
      %add3A_173 = arith.addf %mul3A_144, %mul3A_148 : vector<16xf32>
      %add3A_174 = arith.addf %mul3A_152, %mul3A_156 : vector<16xf32>
      %add3A_175 = arith.addf %mul3A_160, %mul3A_164 : vector<16xf32>
      %add3A_176 = arith.addf %mul3A_168, %mul3A_172 : vector<16xf32>
      %add3A_177 = arith.addf %add3A_173, %add3A_174 : vector<16xf32>
      %add3A_178 = arith.addf %add3A_175, %add3A_176 : vector<16xf32>
      %add3A_179 = arith.addf %add3A_177, %add3A_178 : vector<16xf32>
      %mul3A_180 = arith.constant 16 : i32
      %mul3A_181 = arith.muli %scan3A_81, %mul3A_180 : i32
      %add3A_182 = arith.constant 2 : i32
      %add3A_183 = arith.addi %mul3A_181, %add3A_182 : i32
      %get3A_184 = arith.index_cast %add3A_183 : i32 to index
      %get3A_185 = arith.constant 0 : index
      %get3A_186 = tpu.vector_load %arg10[%get3A_184, %get3A_185] {strides = array<i32>} : memref<128x128xf32, #tpu.memory_space<vmem>>, vector<16xf32>,
      %mul3A_187 = arith.mulf %get3A_186, %get3A_47 : vector<16xf32>
      %get3A_188 = arith.index_cast %add3A_183 : i32 to index
      %get3A_189 = arith.constant 16 : index
      %get3A_190 = tpu.vector_load %arg10[%get3A_188, %get3A_189] {strides = array<i32>} : memref<128x128xf32, #tpu.memory_space<vmem>>, vector<16xf32>,
      %mul3A_191 = arith.mulf %get3A_190, %get3A_51 : vector<16xf32>
      %get3A_192 = arith.index_cast %add3A_183 : i32 to index
      %get3A_193 = arith.constant 32 : index
      %get3A_194 = tpu.vector_load %arg10[%get3A_192, %get3A_193] {strides = array<i32>} : memref<128x128xf32, #tpu.memory_space<vmem>>, vector<16xf32>,
      %mul3A_195 = arith.mulf %get3A_194, %get3A_55 : vector<16xf32>
      %get3A_196 = arith.index_cast %add3A_183 : i32 to index
      %get3A_197 = arith.constant 48 : index
      %get3A_198 = tpu.vector_load %arg10[%get3A_196, %get3A_197] {strides = array<i32>} : memref<128x128xf32, #tpu.memory_space<vmem>>, vector<16xf32>,
      %mul3A_199 = arith.mulf %get3A_198, %get3A_59 : vector<16xf32>
      %get3A_200 = arith.index_cast %add3A_183 : i32 to index
      %get3A_201 = arith.constant 64 : index
      %get3A_202 = tpu.vector_load %arg10[%get3A_200, %get3A_201] {strides = array<i32>} : memref<128x128xf32, #tpu.memory_space<vmem>>, vector<16xf32>,
      %mul3A_203 = arith.mulf %get3A_202, %get3A_63 : vector<16xf32>
      %get3A_204 = arith.index_cast %add3A_183 : i32 to index
      %get3A_205 = arith.constant 80 : index
      %get3A_206 = tpu.vector_load %arg10[%get3A_204, %get3A_205] {strides = array<i32>} : memref<128x128xf32, #tpu.memory_space<vmem>>, vector<16xf32>,
      %mul3A_207 = arith.mulf %get3A_206, %get3A_67 : vector<16xf32>
      %get3A_208 = arith.index_cast %add3A_183 : i32 to index
      %get3A_209 = arith.constant 96 : index
      %get3A_210 = tpu.vector_load %arg10[%get3A_208, %get3A_209] {strides = array<i32>} : memref<128x128xf32, #tpu.memory_space<vmem>>, vector<16xf32>,
      %mul3A_211 = arith.mulf %get3A_210, %get3A_71 : vector<16xf32>
      %get3A_212 = arith.index_cast %add3A_183 : i32 to index
      %get3A_213 = arith.constant 112 : index
      %get3A_214 = tpu.vector_load %arg10[%get3A_212, %get3A_213] {strides = array<i32>} : memref<128x128xf32, #tpu.memory_space<vmem>>, vector<16xf32>,
      %mul3A_215 = arith.mulf %get3A_214, %get3A_75 : vector<16xf32>
      %add3A_216 = arith.addf %mul3A_187, %mul3A_191 : vector<16xf32>
      %add3A_217 = arith.addf %mul3A_195, %mul3A_199 : vector<16xf32>
      %add3A_218 = arith.addf %mul3A_203, %mul3A_207 : vector<16xf32>
      %add3A_219 = arith.addf %mul3A_211, %mul3A_215 : vector<16xf32>
      %add3A_220 = arith.addf %add3A_216, %add3A_217 : vector<16xf32>
      %add3A_221 = arith.addf %add3A_218, %add3A_219 : vector<16xf32>
      %add3A_222 = arith.addf %add3A_220, %add3A_221 : vector<16xf32>
      %mul3A_223 = arith.constant 16 : i32
      %mul3A_224 = arith.muli %scan3A_81, %mul3A_223 : i32
      %add3A_225 = arith.constant 3 : i32
      %add3A_226 = arith.addi %mul3A_224, %add3A_225 : i32
      %get3A_227 = arith.index_cast %add3A_226 : i32 to index
      %get3A_228 = arith.constant 0 : index
      %get3A_229 = tpu.vector_load %arg10[%get3A_227, %get3A_228] {strides = array<i32>} : memref<128x128xf32, #tpu.memory_space<vmem>>, vector<16xf32>,
      %mul3A_230 = arith.mulf %get3A_229, %get3A_47 : vector<16xf32>
      %get3A_231 = arith.index_cast %add3A_226 : i32 to index
      %get3A_232 = arith.constant 16 : index
      %get3A_233 = tpu.vector_load %arg10[%get3A_231, %get3A_232] {strides = array<i32>} : memref<128x128xf32, #tpu.memory_space<vmem>>, vector<16xf32>,
      %mul3A_234 = arith.mulf %get3A_233, %get3A_51 : vector<16xf32>
      %get3A_235 = arith.index_cast %add3A_226 : i32 to index
      %get3A_236 = arith.constant 32 : index
      %get3A_237 = tpu.vector_load %arg10[%get3A_235, %get3A_236] {strides = array<i32>} : memref<128x128xf32, #tpu.memory_space<vmem>>, vector<16xf32>,
      %mul3A_238 = arith.mulf %get3A_237, %get3A_55 : vector<16xf32>
      %get3A_239 = arith.index_cast %add3A_226 : i32 to index
      %get3A_240 = arith.constant 48 : index
      %get3A_241 = tpu.vector_load %arg10[%get3A_239, %get3A_240] {strides = array<i32>} : memref<128x128xf32, #tpu.memory_space<vmem>>, vector<16xf32>,
      %mul3A_242 = arith.mulf %get3A_241, %get3A_59 : vector<16xf32>
      %get3A_243 = arith.index_cast %add3A_226 : i32 to index
      %get3A_244 = arith.constant 64 : index
      %get3A_245 = tpu.vector_load %arg10[%get3A_243, %get3A_244] {strides = array<i32>} : memref<128x128xf32, #tpu.memory_space<vmem>>, vector<16xf32>,
      %mul3A_246 = arith.mulf %get3A_245, %get3A_63 : vector<16xf32>
      %get3A_247 = arith.index_cast %add3A_226 : i32 to index
      %get3A_248 = arith.constant 80 : index
      %get3A_249 = tpu.vector_load %arg10[%get3A_247, %get3A_248] {strides = array<i32>} : memref<128x128xf32, #tpu.memory_space<vmem>>, vector<16xf32>,
      %mul3A_250 = arith.mulf %get3A_249, %get3A_67 : vector<16xf32>
      %get3A_251 = arith.index_cast %add3A_226 : i32 to index
      %get3A_252 = arith.constant 96 : index
      %get3A_253 = tpu.vector_load %arg10[%get3A_251, %get3A_252] {strides = array<i32>} : memref<128x128xf32, #tpu.memory_space<vmem>>, vector<16xf32>,
      %mul3A_254 = arith.mulf %get3A_253, %get3A_71 : vector<16xf32>
      %get3A_255 = arith.index_cast %add3A_226 : i32 to index
      %get3A_256 = arith.constant 112 : index
      %get3A_257 = tpu.vector_load %arg10[%get3A_255, %get3A_256] {strides = array<i32>} : memref<128x128xf32, #tpu.memory_space<vmem>>, vector<16xf32>,
      %mul3A_258 = arith.mulf %get3A_257, %get3A_75 : vector<16xf32>
      %add3A_259 = arith.addf %mul3A_230, %mul3A_234 : vector<16xf32>
      %add3A_260 = arith.addf %mul3A_238, %mul3A_242 : vector<16xf32>
      %add3A_261 = arith.addf %mul3A_246, %mul3A_250 : vector<16xf32>
      %add3A_262 = arith.addf %mul3A_254, %mul3A_258 : vector<16xf32>
      %add3A_263 = arith.addf %add3A_259, %add3A_260 : vector<16xf32>
      %add3A_264 = arith.addf %add3A_261, %add3A_262 : vector<16xf32>
      %add3A_265 = arith.addf %add3A_263, %add3A_264 : vector<16xf32>
      %mul3A_266 = arith.constant 16 : i32
      %mul3A_267 = arith.muli %scan3A_81, %mul3A_266 : i32
      %add3A_268 = arith.constant 4 : i32
      %add3A_269 = arith.addi %mul3A_267, %add3A_268 : i32
      %get3A_270 = arith.index_cast %add3A_269 : i32 to index
      %get3A_271 = arith.constant 0 : index
      %get3A_272 = tpu.vector_load %arg10[%get3A_270, %get3A_271] {strides = array<i32>} : memref<128x128xf32, #tpu.memory_space<vmem>>, vector<16xf32>,
      %mul3A_273 = arith.mulf %get3A_272, %get3A_47 : vector<16xf32>
      %get3A_274 = arith.index_cast %add3A_269 : i32 to index
      %get3A_275 = arith.constant 16 : index
      %get3A_276 = tpu.vector_load %arg10[%get3A_274, %get3A_275] {strides = array<i32>} : memref<128x128xf32, #tpu.memory_space<vmem>>, vector<16xf32>,
      %mul3A_277 = arith.mulf %get3A_276, %get3A_51 : vector<16xf32>
      %get3A_278 = arith.index_cast %add3A_269 : i32 to index
      %get3A_279 = arith.constant 32 : index
      %get3A_280 = tpu.vector_load %arg10[%get3A_278, %get3A_279] {strides = array<i32>} : memref<128x128xf32, #tpu.memory_space<vmem>>, vector<16xf32>,
      %mul3A_281 = arith.mulf %get3A_280, %get3A_55 : vector<16xf32>
      %get3A_282 = arith.index_cast %add3A_269 : i32 to index
      %get3A_283 = arith.constant 48 : index
      %get3A_284 = tpu.vector_load %arg10[%get3A_282, %get3A_283] {strides = array<i32>} : memref<128x128xf32, #tpu.memory_space<vmem>>, vector<16xf32>,
      %mul3A_285 = arith.mulf %get3A_284, %get3A_59 : vector<16xf32>
      %get3A_286 = arith.index_cast %add3A_269 : i32 to index
      %get3A_287 = arith.constant 64 : index
      %get3A_288 = tpu.vector_load %arg10[%get3A_286, %get3A_287] {strides = array<i32>} : memref<128x128xf32, #tpu.memory_space<vmem>>, vector<16xf32>,
      %mul3A_289 = arith.mulf %get3A_288, %get3A_63 : vector<16xf32>
      %get3A_290 = arith.index_cast %add3A_269 : i32 to index
      %get3A_291 = arith.constant 80 : index
      %get3A_292 = tpu.vector_load %arg10[%get3A_290, %get3A_291] {strides = array<i32>} : memref<128x128xf32, #tpu.memory_space<vmem>>, vector<16xf32>,
      %mul3A_293 = arith.mulf %get3A_292, %get3A_67 : vector<16xf32>
      %get3A_294 = arith.index_cast %add3A_269 : i32 to index
      %get3A_295 = arith.constant 96 : index
      %get3A_296 = tpu.vector_load %arg10[%get3A_294, %get3A_295] {strides = array<i32>} : memref<128x128xf32, #tpu.memory_space<vmem>>, vector<16xf32>,
      %mul3A_297 = arith.mulf %get3A_296, %get3A_71 : vector<16xf32>
      %get3A_298 = arith.index_cast %add3A_269 : i32 to index
      %get3A_299 = arith.constant 112 : index
      %get3A_300 = tpu.vector_load %arg10[%get3A_298, %get3A_299] {strides = array<i32>} : memref<128x128xf32, #tpu.memory_space<vmem>>, vector<16xf32>,
      %mul3A_301 = arith.mulf %get3A_300, %get3A_75 : vector<16xf32>
      %add3A_302 = arith.addf %mul3A_273, %mul3A_277 : vector<16xf32>
      %add3A_303 = arith.addf %mul3A_281, %mul3A_285 : vector<16xf32>
      %add3A_304 = arith.addf %mul3A_289, %mul3A_293 : vector<16xf32>
      %add3A_305 = arith.addf %mul3A_297, %mul3A_301 : vector<16xf32>
      %add3A_306 = arith.addf %add3A_302, %add3A_303 : vector<16xf32>
      %add3A_307 = arith.addf %add3A_304, %add3A_305 : vector<16xf32>
      %add3A_308 = arith.addf %add3A_306, %add3A_307 : vector<16xf32>
      %mul3A_309 = arith.constant 16 : i32
      %mul3A_310 = arith.muli %scan3A_81, %mul3A_309 : i32
      %add3A_311 = arith.constant 5 : i32
      %add3A_312 = arith.addi %mul3A_310, %add3A_311 : i32
      %get3A_313 = arith.index_cast %add3A_312 : i32 to index
      %get3A_314 = arith.constant 0 : index
      %get3A_315 = tpu.vector_load %arg10[%get3A_313, %get3A_314] {strides = array<i32>} : memref<128x128xf32, #tpu.memory_space<vmem>>, vector<16xf32>,
      %mul3A_316 = arith.mulf %get3A_315, %get3A_47 : vector<16xf32>
      %get3A_317 = arith.index_cast %add3A_312 : i32 to index
      %get3A_318 = arith.constant 16 : index
      %get3A_319 = tpu.vector_load %arg10[%get3A_317, %get3A_318] {strides = array<i32>} : memref<128x128xf32, #tpu.memory_space<vmem>>, vector<16xf32>,
      %mul3A_320 = arith.mulf %get3A_319, %get3A_51 : vector<16xf32>
      %get3A_321 = arith.index_cast %add3A_312 : i32 to index
      %get3A_322 = arith.constant 32 : index
      %get3A_323 = tpu.vector_load %arg10[%get3A_321, %get3A_322] {strides = array<i32>} : memref<128x128xf32, #tpu.memory_space<vmem>>, vector<16xf32>,
      %mul3A_324 = arith.mulf %get3A_323, %get3A_55 : vector<16xf32>
      %get3A_325 = arith.index_cast %add3A_312 : i32 to index
      %get3A_326 = arith.constant 48 : index
      %get3A_327 = tpu.vector_load %arg10[%get3A_325, %get3A_326] {strides = array<i32>} : memref<128x128xf32, #tpu.memory_space<vmem>>, vector<16xf32>,
      %mul3A_328 = arith.mulf %get3A_327, %get3A_59 : vector<16xf32>
      %get3A_329 = arith.index_cast %add3A_312 : i32 to index
      %get3A_330 = arith.constant 64 : index
      %get3A_331 = tpu.vector_load %arg10[%get3A_329, %get3A_330] {strides = array<i32>} : memref<128x128xf32, #tpu.memory_space<vmem>>, vector<16xf32>,
      %mul3A_332 = arith.mulf %get3A_331, %get3A_63 : vector<16xf32>
      %get3A_333 = arith.index_cast %add3A_312 : i32 to index
      %get3A_334 = arith.constant 80 : index
      %get3A_335 = tpu.vector_load %arg10[%get3A_333, %get3A_334] {strides = array<i32>} : memref<128x128xf32, #tpu.memory_space<vmem>>, vector<16xf32>,
      %mul3A_336 = arith.mulf %get3A_335, %get3A_67 : vector<16xf32>
      %get3A_337 = arith.index_cast %add3A_312 : i32 to index
      %get3A_338 = arith.constant 96 : index
      %get3A_339 = tpu.vector_load %arg10[%get3A_337, %get3A_338] {strides = array<i32>} : memref<128x128xf32, #tpu.memory_space<vmem>>, vector<16xf32>,
      %mul3A_340 = arith.mulf %get3A_339, %get3A_71 : vector<16xf32>
      %get3A_341 = arith.index_cast %add3A_312 : i32 to index
      %get3A_342 = arith.constant 112 : index
      %get3A_343 = tpu.vector_load %arg10[%get3A_341, %get3A_342] {strides = array<i32>} : memref<128x128xf32, #tpu.memory_space<vmem>>, vector<16xf32>,
      %mul3A_344 = arith.mulf %get3A_343, %get3A_75 : vector<16xf32>
      %add3A_345 = arith.addf %mul3A_316, %mul3A_320 : vector<16xf32>
      %add3A_346 = arith.addf %mul3A_324, %mul3A_328 : vector<16xf32>
      %add3A_347 = arith.addf %mul3A_332, %mul3A_336 : vector<16xf32>
      %add3A_348 = arith.addf %mul3A_340, %mul3A_344 : vector<16xf32>
      %add3A_349 = arith.addf %add3A_345, %add3A_346 : vector<16xf32>
      %add3A_350 = arith.addf %add3A_347, %add3A_348 : vector<16xf32>
      %add3A_351 = arith.addf %add3A_349, %add3A_350 : vector<16xf32>
      %mul3A_352 = arith.constant 16 : i32
      %mul3A_353 = arith.muli %scan3A_81, %mul3A_352 : i32
      %add3A_354 = arith.constant 6 : i32
      %add3A_355 = arith.addi %mul3A_353, %add3A_354 : i32
      %get3A_356 = arith.index_cast %add3A_355 : i32 to index
      %get3A_357 = arith.constant 0 : index
      %get3A_358 = tpu.vector_load %arg10[%get3A_356, %get3A_357] {strides = array<i32>} : memref<128x128xf32, #tpu.memory_space<vmem>>, vector<16xf32>,
      %mul3A_359 = arith.mulf %get3A_358, %get3A_47 : vector<16xf32>
      %get3A_360 = arith.index_cast %add3A_355 : i32 to index
      %get3A_361 = arith.constant 16 : index
      %get3A_362 = tpu.vector_load %arg10[%get3A_360, %get3A_361] {strides = array<i32>} : memref<128x128xf32, #tpu.memory_space<vmem>>, vector<16xf32>,
      %mul3A_363 = arith.mulf %get3A_362, %get3A_51 : vector<16xf32>
      %get3A_364 = arith.index_cast %add3A_355 : i32 to index
      %get3A_365 = arith.constant 32 : index
      %get3A_366 = tpu.vector_load %arg10[%get3A_364, %get3A_365] {strides = array<i32>} : memref<128x128xf32, #tpu.memory_space<vmem>>, vector<16xf32>,
      %mul3A_367 = arith.mulf %get3A_366, %get3A_55 : vector<16xf32>
      %get3A_368 = arith.index_cast %add3A_355 : i32 to index
      %get3A_369 = arith.constant 48 : index
      %get3A_370 = tpu.vector_load %arg10[%get3A_368, %get3A_369] {strides = array<i32>} : memref<128x128xf32, #tpu.memory_space<vmem>>, vector<16xf32>,
      %mul3A_371 = arith.mulf %get3A_370, %get3A_59 : vector<16xf32>
      %get3A_372 = arith.index_cast %add3A_355 : i32 to index
      %get3A_373 = arith.constant 64 : index
      %get3A_374 = tpu.vector_load %arg10[%get3A_372, %get3A_373] {strides = array<i32>} : memref<128x128xf32, #tpu.memory_space<vmem>>, vector<16xf32>,
      %mul3A_375 = arith.mulf %get3A_374, %get3A_63 : vector<16xf32>
      %get3A_376 = arith.index_cast %add3A_355 : i32 to index
      %get3A_377 = arith.constant 80 : index
      %get3A_378 = tpu.vector_load %arg10[%get3A_376, %get3A_377] {strides = array<i32>} : memref<128x128xf32, #tpu.memory_space<vmem>>, vector<16xf32>,
      %mul3A_379 = arith.mulf %get3A_378, %get3A_67 : vector<16xf32>
      %get3A_380 = arith.index_cast %add3A_355 : i32 to index
      %get3A_381 = arith.constant 96 : index
      %get3A_382 = tpu.vector_load %arg10[%get3A_380, %get3A_381] {strides = array<i32>} : memref<128x128xf32, #tpu.memory_space<vmem>>, vector<16xf32>,
      %mul3A_383 = arith.mulf %get3A_382, %get3A_71 : vector<16xf32>
      %get3A_384 = arith.index_cast %add3A_355 : i32 to index
      %get3A_385 = arith.constant 112 : index
      %get3A_386 = tpu.vector_load %arg10[%get3A_384, %get3A_385] {strides = array<i32>} : memref<128x128xf32, #tpu.memory_space<vmem>>, vector<16xf32>,
      %mul3A_387 = arith.mulf %get3A_386, %get3A_75 : vector<16xf32>
      %add3A_388 = arith.addf %mul3A_359, %mul3A_363 : vector<16xf32>
      %add3A_389 = arith.addf %mul3A_367, %mul3A_371 : vector<16xf32>
      %add3A_390 = arith.addf %mul3A_375, %mul3A_379 : vector<16xf32>
      %add3A_391 = arith.addf %mul3A_383, %mul3A_387 : vector<16xf32>
      %add3A_392 = arith.addf %add3A_388, %add3A_389 : vector<16xf32>
      %add3A_393 = arith.addf %add3A_390, %add3A_391 : vector<16xf32>
      %add3A_394 = arith.addf %add3A_392, %add3A_393 : vector<16xf32>
      %mul3A_395 = arith.constant 16 : i32
      %mul3A_396 = arith.muli %scan3A_81, %mul3A_395 : i32
      %add3A_397 = arith.constant 7 : i32
      %add3A_398 = arith.addi %mul3A_396, %add3A_397 : i32
      %get3A_399 = arith.index_cast %add3A_398 : i32 to index
      %get3A_400 = arith.constant 0 : index
      %get3A_401 = tpu.vector_load %arg10[%get3A_399, %get3A_400] {strides = array<i32>} : memref<128x128xf32, #tpu.memory_space<vmem>>, vector<16xf32>,
      %mul3A_402 = arith.mulf %get3A_401, %get3A_47 : vector<16xf32>
      %get3A_403 = arith.index_cast %add3A_398 : i32 to index
      %get3A_404 = arith.constant 16 : index
      %get3A_405 = tpu.vector_load %arg10[%get3A_403, %get3A_404] {strides = array<i32>} : memref<128x128xf32, #tpu.memory_space<vmem>>, vector<16xf32>,
      %mul3A_406 = arith.mulf %get3A_405, %get3A_51 : vector<16xf32>
      %get3A_407 = arith.index_cast %add3A_398 : i32 to index
      %get3A_408 = arith.constant 32 : index
      %get3A_409 = tpu.vector_load %arg10[%get3A_407, %get3A_408] {strides = array<i32>} : memref<128x128xf32, #tpu.memory_space<vmem>>, vector<16xf32>,
      %mul3A_410 = arith.mulf %get3A_409, %get3A_55 : vector<16xf32>
      %get3A_411 = arith.index_cast %add3A_398 : i32 to index
      %get3A_412 = arith.constant 48 : index
      %get3A_413 = tpu.vector_load %arg10[%get3A_411, %get3A_412] {strides = array<i32>} : memref<128x128xf32, #tpu.memory_space<vmem>>, vector<16xf32>,
      %mul3A_414 = arith.mulf %get3A_413, %get3A_59 : vector<16xf32>
      %get3A_415 = arith.index_cast %add3A_398 : i32 to index
      %get3A_416 = arith.constant 64 : index
      %get3A_417 = tpu.vector_load %arg10[%get3A_415, %get3A_416] {strides = array<i32>} : memref<128x128xf32, #tpu.memory_space<vmem>>, vector<16xf32>,
      %mul3A_418 = arith.mulf %get3A_417, %get3A_63 : vector<16xf32>
      %get3A_419 = arith.index_cast %add3A_398 : i32 to index
      %get3A_420 = arith.constant 80 : index
      %get3A_421 = tpu.vector_load %arg10[%get3A_419, %get3A_420] {strides = array<i32>} : memref<128x128xf32, #tpu.memory_space<vmem>>, vector<16xf32>,
      %mul3A_422 = arith.mulf %get3A_421, %get3A_67 : vector<16xf32>
      %get3A_423 = arith.index_cast %add3A_398 : i32 to index
      %get3A_424 = arith.constant 96 : index
      %get3A_425 = tpu.vector_load %arg10[%get3A_423, %get3A_424] {strides = array<i32>} : memref<128x128xf32, #tpu.memory_space<vmem>>, vector<16xf32>,
      %mul3A_426 = arith.mulf %get3A_425, %get3A_71 : vector<16xf32>
      %get3A_427 = arith.index_cast %add3A_398 : i32 to index
      %get3A_428 = arith.constant 112 : index
      %get3A_429 = tpu.vector_load %arg10[%get3A_427, %get3A_428] {strides = array<i32>} : memref<128x128xf32, #tpu.memory_space<vmem>>, vector<16xf32>,
      %mul3A_430 = arith.mulf %get3A_429, %get3A_75 : vector<16xf32>
      %add3A_431 = arith.addf %mul3A_402, %mul3A_406 : vector<16xf32>
      %add3A_432 = arith.addf %mul3A_410, %mul3A_414 : vector<16xf32>
      %add3A_433 = arith.addf %mul3A_418, %mul3A_422 : vector<16xf32>
      %add3A_434 = arith.addf %mul3A_426, %mul3A_430 : vector<16xf32>
      %add3A_435 = arith.addf %add3A_431, %add3A_432 : vector<16xf32>
      %add3A_436 = arith.addf %add3A_433, %add3A_434 : vector<16xf32>
      %add3A_437 = arith.addf %add3A_435, %add3A_436 : vector<16xf32>
      %mul3A_438 = arith.constant 16 : i32
      %mul3A_439 = arith.muli %scan3A_81, %mul3A_438 : i32
      %add3A_440 = arith.constant 8 : i32
      %add3A_441 = arith.addi %mul3A_439, %add3A_440 : i32
      %get3A_442 = arith.index_cast %add3A_441 : i32 to index
      %get3A_443 = arith.constant 0 : index
      %get3A_444 = tpu.vector_load %arg10[%get3A_442, %get3A_443] {strides = array<i32>} : memref<128x128xf32, #tpu.memory_space<vmem>>, vector<16xf32>,
      %mul3A_445 = arith.mulf %get3A_444, %get3A_47 : vector<16xf32>
      %get3A_446 = arith.index_cast %add3A_441 : i32 to index
      %get3A_447 = arith.constant 16 : index
      %get3A_448 = tpu.vector_load %arg10[%get3A_446, %get3A_447] {strides = array<i32>} : memref<128x128xf32, #tpu.memory_space<vmem>>, vector<16xf32>,
      %mul3A_449 = arith.mulf %get3A_448, %get3A_51 : vector<16xf32>
      %get3A_450 = arith.index_cast %add3A_441 : i32 to index
      %get3A_451 = arith.constant 32 : index
      %get3A_452 = tpu.vector_load %arg10[%get3A_450, %get3A_451] {strides = array<i32>} : memref<128x128xf32, #tpu.memory_space<vmem>>, vector<16xf32>,
      %mul3A_453 = arith.mulf %get3A_452, %get3A_55 : vector<16xf32>
      %get3A_454 = arith.index_cast %add3A_441 : i32 to index
      %get3A_455 = arith.constant 48 : index
      %get3A_456 = tpu.vector_load %arg10[%get3A_454, %get3A_455] {strides = array<i32>} : memref<128x128xf32, #tpu.memory_space<vmem>>, vector<16xf32>,
      %mul3A_457 = arith.mulf %get3A_456, %get3A_59 : vector<16xf32>
      %get3A_458 = arith.index_cast %add3A_441 : i32 to index
      %get3A_459 = arith.constant 64 : index
      %get3A_460 = tpu.vector_load %arg10[%get3A_458, %get3A_459] {strides = array<i32>} : memref<128x128xf32, #tpu.memory_space<vmem>>, vector<16xf32>,
      %mul3A_461 = arith.mulf %get3A_460, %get3A_63 : vector<16xf32>
      %get3A_462 = arith.index_cast %add3A_441 : i32 to index
      %get3A_463 = arith.constant 80 : index
      %get3A_464 = tpu.vector_load %arg10[%get3A_462, %get3A_463] {strides = array<i32>} : memref<128x128xf32, #tpu.memory_space<vmem>>, vector<16xf32>,
      %mul3A_465 = arith.mulf %get3A_464, %get3A_67 : vector<16xf32>
      %get3A_466 = arith.index_cast %add3A_441 : i32 to index
      %get3A_467 = arith.constant 96 : index
      %get3A_468 = tpu.vector_load %arg10[%get3A_466, %get3A_467] {strides = array<i32>} : memref<128x128xf32, #tpu.memory_space<vmem>>, vector<16xf32>,
      %mul3A_469 = arith.mulf %get3A_468, %get3A_71 : vector<16xf32>
      %get3A_470 = arith.index_cast %add3A_441 : i32 to index
      %get3A_471 = arith.constant 112 : index
      %get3A_472 = tpu.vector_load %arg10[%get3A_470, %get3A_471] {strides = array<i32>} : memref<128x128xf32, #tpu.memory_space<vmem>>, vector<16xf32>,
      %mul3A_473 = arith.mulf %get3A_472, %get3A_75 : vector<16xf32>
      %add3A_474 = arith.addf %mul3A_445, %mul3A_449 : vector<16xf32>
      %add3A_475 = arith.addf %mul3A_453, %mul3A_457 : vector<16xf32>
      %add3A_476 = arith.addf %mul3A_461, %mul3A_465 : vector<16xf32>
      %add3A_477 = arith.addf %mul3A_469, %mul3A_473 : vector<16xf32>
      %add3A_478 = arith.addf %add3A_474, %add3A_475 : vector<16xf32>
      %add3A_479 = arith.addf %add3A_476, %add3A_477 : vector<16xf32>
      %add3A_480 = arith.addf %add3A_478, %add3A_479 : vector<16xf32>
      %mul3A_481 = arith.constant 16 : i32
      %mul3A_482 = arith.muli %scan3A_81, %mul3A_481 : i32
      %add3A_483 = arith.constant 9 : i32
      %add3A_484 = arith.addi %mul3A_482, %add3A_483 : i32
      %get3A_485 = arith.index_cast %add3A_484 : i32 to index
      %get3A_486 = arith.constant 0 : index
      %get3A_487 = tpu.vector_load %arg10[%get3A_485, %get3A_486] {strides = array<i32>} : memref<128x128xf32, #tpu.memory_space<vmem>>, vector<16xf32>,
      %mul3A_488 = arith.mulf %get3A_487, %get3A_47 : vector<16xf32>
      %get3A_489 = arith.index_cast %add3A_484 : i32 to index
      %get3A_490 = arith.constant 16 : index
      %get3A_491 = tpu.vector_load %arg10[%get3A_489, %get3A_490] {strides = array<i32>} : memref<128x128xf32, #tpu.memory_space<vmem>>, vector<16xf32>,
      %mul3A_492 = arith.mulf %get3A_491, %get3A_51 : vector<16xf32>
      %get3A_493 = arith.index_cast %add3A_484 : i32 to index
      %get3A_494 = arith.constant 32 : index
      %get3A_495 = tpu.vector_load %arg10[%get3A_493, %get3A_494] {strides = array<i32>} : memref<128x128xf32, #tpu.memory_space<vmem>>, vector<16xf32>,
      %mul3A_496 = arith.mulf %get3A_495, %get3A_55 : vector<16xf32>
      %get3A_497 = arith.index_cast %add3A_484 : i32 to index
      %get3A_498 = arith.constant 48 : index
      %get3A_499 = tpu.vector_load %arg10[%get3A_497, %get3A_498] {strides = array<i32>} : memref<128x128xf32, #tpu.memory_space<vmem>>, vector<16xf32>,
      %mul3A_500 = arith.mulf %get3A_499, %get3A_59 : vector<16xf32>
      %get3A_501 = arith.index_cast %add3A_484 : i32 to index
      %get3A_502 = arith.constant 64 : index
      %get3A_503 = tpu.vector_load %arg10[%get3A_501, %get3A_502] {strides = array<i32>} : memref<128x128xf32, #tpu.memory_space<vmem>>, vector<16xf32>,
      %mul3A_504 = arith.mulf %get3A_503, %get3A_63 : vector<16xf32>
      %get3A_505 = arith.index_cast %add3A_484 : i32 to index
      %get3A_506 = arith.constant 80 : index
      %get3A_507 = tpu.vector_load %arg10[%get3A_505, %get3A_506] {strides = array<i32>} : memref<128x128xf32, #tpu.memory_space<vmem>>, vector<16xf32>,
      %mul3A_508 = arith.mulf %get3A_507, %get3A_67 : vector<16xf32>
      %get3A_509 = arith.index_cast %add3A_484 : i32 to index
      %get3A_510 = arith.constant 96 : index
      %get3A_511 = tpu.vector_load %arg10[%get3A_509, %get3A_510] {strides = array<i32>} : memref<128x128xf32, #tpu.memory_space<vmem>>, vector<16xf32>,
      %mul3A_512 = arith.mulf %get3A_511, %get3A_71 : vector<16xf32>
      %get3A_513 = arith.index_cast %add3A_484 : i32 to index
      %get3A_514 = arith.constant 112 : index
      %get3A_515 = tpu.vector_load %arg10[%get3A_513, %get3A_514] {strides = array<i32>} : memref<128x128xf32, #tpu.memory_space<vmem>>, vector<16xf32>,
      %mul3A_516 = arith.mulf %get3A_515, %get3A_75 : vector<16xf32>
      %add3A_517 = arith.addf %mul3A_488, %mul3A_492 : vector<16xf32>
      %add3A_518 = arith.addf %mul3A_496, %mul3A_500 : vector<16xf32>
      %add3A_519 = arith.addf %mul3A_504, %mul3A_508 : vector<16xf32>
      %add3A_520 = arith.addf %mul3A_512, %mul3A_516 : vector<16xf32>
      %add3A_521 = arith.addf %add3A_517, %add3A_518 : vector<16xf32>
      %add3A_522 = arith.addf %add3A_519, %add3A_520 : vector<16xf32>
      %add3A_523 = arith.addf %add3A_521, %add3A_522 : vector<16xf32>
      %mul3A_524 = arith.constant 16 : i32
      %mul3A_525 = arith.muli %scan3A_81, %mul3A_524 : i32
      %add3A_526 = arith.constant 10 : i32
      %add3A_527 = arith.addi %mul3A_525, %add3A_526 : i32
      %get3A_528 = arith.index_cast %add3A_527 : i32 to index
      %get3A_529 = arith.constant 0 : index
      %get3A_530 = tpu.vector_load %arg10[%get3A_528, %get3A_529] {strides = array<i32>} : memref<128x128xf32, #tpu.memory_space<vmem>>, vector<16xf32>,
      %mul3A_531 = arith.mulf %get3A_530, %get3A_47 : vector<16xf32>
      %get3A_532 = arith.index_cast %add3A_527 : i32 to index
      %get3A_533 = arith.constant 16 : index
      %get3A_534 = tpu.vector_load %arg10[%get3A_532, %get3A_533] {strides = array<i32>} : memref<128x128xf32, #tpu.memory_space<vmem>>, vector<16xf32>,
      %mul3A_535 = arith.mulf %get3A_534, %get3A_51 : vector<16xf32>
      %get3A_536 = arith.index_cast %add3A_527 : i32 to index
      %get3A_537 = arith.constant 32 : index
      %get3A_538 = tpu.vector_load %arg10[%get3A_536, %get3A_537] {strides = array<i32>} : memref<128x128xf32, #tpu.memory_space<vmem>>, vector<16xf32>,
      %mul3A_539 = arith.mulf %get3A_538, %get3A_55 : vector<16xf32>
      %get3A_540 = arith.index_cast %add3A_527 : i32 to index
      %get3A_541 = arith.constant 48 : index
      %get3A_542 = tpu.vector_load %arg10[%get3A_540, %get3A_541] {strides = array<i32>} : memref<128x128xf32, #tpu.memory_space<vmem>>, vector<16xf32>,
      %mul3A_543 = arith.mulf %get3A_542, %get3A_59 : vector<16xf32>
      %get3A_544 = arith.index_cast %add3A_527 : i32 to index
      %get3A_545 = arith.constant 64 : index
      %get3A_546 = tpu.vector_load %arg10[%get3A_544, %get3A_545] {strides = array<i32>} : memref<128x128xf32, #tpu.memory_space<vmem>>, vector<16xf32>,
      %mul3A_547 = arith.mulf %get3A_546, %get3A_63 : vector<16xf32>
      %get3A_548 = arith.index_cast %add3A_527 : i32 to index
      %get3A_549 = arith.constant 80 : index
      %get3A_550 = tpu.vector_load %arg10[%get3A_548, %get3A_549] {strides = array<i32>} : memref<128x128xf32, #tpu.memory_space<vmem>>, vector<16xf32>,
      %mul3A_551 = arith.mulf %get3A_550, %get3A_67 : vector<16xf32>
      %get3A_552 = arith.index_cast %add3A_527 : i32 to index
      %get3A_553 = arith.constant 96 : index
      %get3A_554 = tpu.vector_load %arg10[%get3A_552, %get3A_553] {strides = array<i32>} : memref<128x128xf32, #tpu.memory_space<vmem>>, vector<16xf32>,
      %mul3A_555 = arith.mulf %get3A_554, %get3A_71 : vector<16xf32>
      %get3A_556 = arith.index_cast %add3A_527 : i32 to index
      %get3A_557 = arith.constant 112 : index
      %get3A_558 = tpu.vector_load %arg10[%get3A_556, %get3A_557] {strides = array<i32>} : memref<128x128xf32, #tpu.memory_space<vmem>>, vector<16xf32>,
      %mul3A_559 = arith.mulf %get3A_558, %get3A_75 : vector<16xf32>
      %add3A_560 = arith.addf %mul3A_531, %mul3A_535 : vector<16xf32>
      %add3A_561 = arith.addf %mul3A_539, %mul3A_543 : vector<16xf32>
      %add3A_562 = arith.addf %mul3A_547, %mul3A_551 : vector<16xf32>
      %add3A_563 = arith.addf %mul3A_555, %mul3A_559 : vector<16xf32>
      %add3A_564 = arith.addf %add3A_560, %add3A_561 : vector<16xf32>
      %add3A_565 = arith.addf %add3A_562, %add3A_563 : vector<16xf32>
      %add3A_566 = arith.addf %add3A_564, %add3A_565 : vector<16xf32>
      %mul3A_567 = arith.constant 16 : i32
      %mul3A_568 = arith.muli %scan3A_81, %mul3A_567 : i32
      %add3A_569 = arith.constant 11 : i32
      %add3A_570 = arith.addi %mul3A_568, %add3A_569 : i32
      %get3A_571 = arith.index_cast %add3A_570 : i32 to index
      %get3A_572 = arith.constant 0 : index
      %get3A_573 = tpu.vector_load %arg10[%get3A_571, %get3A_572] {strides = array<i32>} : memref<128x128xf32, #tpu.memory_space<vmem>>, vector<16xf32>,
      %mul3A_574 = arith.mulf %get3A_573, %get3A_47 : vector<16xf32>
      %get3A_575 = arith.index_cast %add3A_570 : i32 to index
      %get3A_576 = arith.constant 16 : index
      %get3A_577 = tpu.vector_load %arg10[%get3A_575, %get3A_576] {strides = array<i32>} : memref<128x128xf32, #tpu.memory_space<vmem>>, vector<16xf32>,
      %mul3A_578 = arith.mulf %get3A_577, %get3A_51 : vector<16xf32>
      %get3A_579 = arith.index_cast %add3A_570 : i32 to index
      %get3A_580 = arith.constant 32 : index
      %get3A_581 = tpu.vector_load %arg10[%get3A_579, %get3A_580] {strides = array<i32>} : memref<128x128xf32, #tpu.memory_space<vmem>>, vector<16xf32>,
      %mul3A_582 = arith.mulf %get3A_581, %get3A_55 : vector<16xf32>
      %get3A_583 = arith.index_cast %add3A_570 : i32 to index
      %get3A_584 = arith.constant 48 : index
      %get3A_585 = tpu.vector_load %arg10[%get3A_583, %get3A_584] {strides = array<i32>} : memref<128x128xf32, #tpu.memory_space<vmem>>, vector<16xf32>,
      %mul3A_586 = arith.mulf %get3A_585, %get3A_59 : vector<16xf32>
      %get3A_587 = arith.index_cast %add3A_570 : i32 to index
      %get3A_588 = arith.constant 64 : index
      %get3A_589 = tpu.vector_load %arg10[%get3A_587, %get3A_588] {strides = array<i32>} : memref<128x128xf32, #tpu.memory_space<vmem>>, vector<16xf32>,
      %mul3A_590 = arith.mulf %get3A_589, %get3A_63 : vector<16xf32>
      %get3A_591 = arith.index_cast %add3A_570 : i32 to index
      %get3A_592 = arith.constant 80 : index
      %get3A_593 = tpu.vector_load %arg10[%get3A_591, %get3A_592] {strides = array<i32>} : memref<128x128xf32, #tpu.memory_space<vmem>>, vector<16xf32>,
      %mul3A_594 = arith.mulf %get3A_593, %get3A_67 : vector<16xf32>
      %get3A_595 = arith.index_cast %add3A_570 : i32 to index
      %get3A_596 = arith.constant 96 : index
      %get3A_597 = tpu.vector_load %arg10[%get3A_595, %get3A_596] {strides = array<i32>} : memref<128x128xf32, #tpu.memory_space<vmem>>, vector<16xf32>,
      %mul3A_598 = arith.mulf %get3A_597, %get3A_71 : vector<16xf32>
      %get3A_599 = arith.index_cast %add3A_570 : i32 to index
      %get3A_600 = arith.constant 112 : index
      %get3A_601 = tpu.vector_load %arg10[%get3A_599, %get3A_600] {strides = array<i32>} : memref<128x128xf32, #tpu.memory_space<vmem>>, vector<16xf32>,
      %mul3A_602 = arith.mulf %get3A_601, %get3A_75 : vector<16xf32>
      %add3A_603 = arith.addf %mul3A_574, %mul3A_578 : vector<16xf32>
      %add3A_604 = arith.addf %mul3A_582, %mul3A_586 : vector<16xf32>
      %add3A_605 = arith.addf %mul3A_590, %mul3A_594 : vector<16xf32>
      %add3A_606 = arith.addf %mul3A_598, %mul3A_602 : vector<16xf32>
      %add3A_607 = arith.addf %add3A_603, %add3A_604 : vector<16xf32>
      %add3A_608 = arith.addf %add3A_605, %add3A_606 : vector<16xf32>
      %add3A_609 = arith.addf %add3A_607, %add3A_608 : vector<16xf32>
      %mul3A_610 = arith.constant 16 : i32
      %mul3A_611 = arith.muli %scan3A_81, %mul3A_610 : i32
      %add3A_612 = arith.constant 12 : i32
      %add3A_613 = arith.addi %mul3A_611, %add3A_612 : i32
      %get3A_614 = arith.index_cast %add3A_613 : i32 to index
      %get3A_615 = arith.constant 0 : index
      %get3A_616 = tpu.vector_load %arg10[%get3A_614, %get3A_615] {strides = array<i32>} : memref<128x128xf32, #tpu.memory_space<vmem>>, vector<16xf32>,
      %mul3A_617 = arith.mulf %get3A_616, %get3A_47 : vector<16xf32>
      %get3A_618 = arith.index_cast %add3A_613 : i32 to index
      %get3A_619 = arith.constant 16 : index
      %get3A_620 = tpu.vector_load %arg10[%get3A_618, %get3A_619] {strides = array<i32>} : memref<128x128xf32, #tpu.memory_space<vmem>>, vector<16xf32>,
      %mul3A_621 = arith.mulf %get3A_620, %get3A_51 : vector<16xf32>
      %get3A_622 = arith.index_cast %add3A_613 : i32 to index
      %get3A_623 = arith.constant 32 : index
      %get3A_624 = tpu.vector_load %arg10[%get3A_622, %get3A_623] {strides = array<i32>} : memref<128x128xf32, #tpu.memory_space<vmem>>, vector<16xf32>,
      %mul3A_625 = arith.mulf %get3A_624, %get3A_55 : vector<16xf32>
      %get3A_626 = arith.index_cast %add3A_613 : i32 to index
      %get3A_627 = arith.constant 48 : index
      %get3A_628 = tpu.vector_load %arg10[%get3A_626, %get3A_627] {strides = array<i32>} : memref<128x128xf32, #tpu.memory_space<vmem>>, vector<16xf32>,
      %mul3A_629 = arith.mulf %get3A_628, %get3A_59 : vector<16xf32>
      %get3A_630 = arith.index_cast %add3A_613 : i32 to index
      %get3A_631 = arith.constant 64 : index
      %get3A_632 = tpu.vector_load %arg10[%get3A_630, %get3A_631] {strides = array<i32>} : memref<128x128xf32, #tpu.memory_space<vmem>>, vector<16xf32>,
      %mul3A_633 = arith.mulf %get3A_632, %get3A_63 : vector<16xf32>
      %get3A_634 = arith.index_cast %add3A_613 : i32 to index
      %get3A_635 = arith.constant 80 : index
      %get3A_636 = tpu.vector_load %arg10[%get3A_634, %get3A_635] {strides = array<i32>} : memref<128x128xf32, #tpu.memory_space<vmem>>, vector<16xf32>,
      %mul3A_637 = arith.mulf %get3A_636, %get3A_67 : vector<16xf32>
      %get3A_638 = arith.index_cast %add3A_613 : i32 to index
      %get3A_639 = arith.constant 96 : index
      %get3A_640 = tpu.vector_load %arg10[%get3A_638, %get3A_639] {strides = array<i32>} : memref<128x128xf32, #tpu.memory_space<vmem>>, vector<16xf32>,
      %mul3A_641 = arith.mulf %get3A_640, %get3A_71 : vector<16xf32>
      %get3A_642 = arith.index_cast %add3A_613 : i32 to index
      %get3A_643 = arith.constant 112 : index
      %get3A_644 = tpu.vector_load %arg10[%get3A_642, %get3A_643] {strides = array<i32>} : memref<128x128xf32, #tpu.memory_space<vmem>>, vector<16xf32>,
      %mul3A_645 = arith.mulf %get3A_644, %get3A_75 : vector<16xf32>
      %add3A_646 = arith.addf %mul3A_617, %mul3A_621 : vector<16xf32>
      %add3A_647 = arith.addf %mul3A_625, %mul3A_629 : vector<16xf32>
      %add3A_648 = arith.addf %mul3A_633, %mul3A_637 : vector<16xf32>
      %add3A_649 = arith.addf %mul3A_641, %mul3A_645 : vector<16xf32>
      %add3A_650 = arith.addf %add3A_646, %add3A_647 : vector<16xf32>
      %add3A_651 = arith.addf %add3A_648, %add3A_649 : vector<16xf32>
      %add3A_652 = arith.addf %add3A_650, %add3A_651 : vector<16xf32>
      %mul3A_653 = arith.constant 16 : i32
      %mul3A_654 = arith.muli %scan3A_81, %mul3A_653 : i32
      %add3A_655 = arith.constant 13 : i32
      %add3A_656 = arith.addi %mul3A_654, %add3A_655 : i32
      %get3A_657 = arith.index_cast %add3A_656 : i32 to index
      %get3A_658 = arith.constant 0 : index
      %get3A_659 = tpu.vector_load %arg10[%get3A_657, %get3A_658] {strides = array<i32>} : memref<128x128xf32, #tpu.memory_space<vmem>>, vector<16xf32>,
      %mul3A_660 = arith.mulf %get3A_659, %get3A_47 : vector<16xf32>
      %get3A_661 = arith.index_cast %add3A_656 : i32 to index
      %get3A_662 = arith.constant 16 : index
      %get3A_663 = tpu.vector_load %arg10[%get3A_661, %get3A_662] {strides = array<i32>} : memref<128x128xf32, #tpu.memory_space<vmem>>, vector<16xf32>,
      %mul3A_664 = arith.mulf %get3A_663, %get3A_51 : vector<16xf32>
      %get3A_665 = arith.index_cast %add3A_656 : i32 to index
      %get3A_666 = arith.constant 32 : index
      %get3A_667 = tpu.vector_load %arg10[%get3A_665, %get3A_666] {strides = array<i32>} : memref<128x128xf32, #tpu.memory_space<vmem>>, vector<16xf32>,
      %mul3A_668 = arith.mulf %get3A_667, %get3A_55 : vector<16xf32>
      %get3A_669 = arith.index_cast %add3A_656 : i32 to index
      %get3A_670 = arith.constant 48 : index
      %get3A_671 = tpu.vector_load %arg10[%get3A_669, %get3A_670] {strides = array<i32>} : memref<128x128xf32, #tpu.memory_space<vmem>>, vector<16xf32>,
      %mul3A_672 = arith.mulf %get3A_671, %get3A_59 : vector<16xf32>
      %get3A_673 = arith.index_cast %add3A_656 : i32 to index
      %get3A_674 = arith.constant 64 : index
      %get3A_675 = tpu.vector_load %arg10[%get3A_673, %get3A_674] {strides = array<i32>} : memref<128x128xf32, #tpu.memory_space<vmem>>, vector<16xf32>,
      %mul3A_676 = arith.mulf %get3A_675, %get3A_63 : vector<16xf32>
      %get3A_677 = arith.index_cast %add3A_656 : i32 to index
      %get3A_678 = arith.constant 80 : index
      %get3A_679 = tpu.vector_load %arg10[%get3A_677, %get3A_678] {strides = array<i32>} : memref<128x128xf32, #tpu.memory_space<vmem>>, vector<16xf32>,
      %mul3A_680 = arith.mulf %get3A_679, %get3A_67 : vector<16xf32>
      %get3A_681 = arith.index_cast %add3A_656 : i32 to index
      %get3A_682 = arith.constant 96 : index
      %get3A_683 = tpu.vector_load %arg10[%get3A_681, %get3A_682] {strides = array<i32>} : memref<128x128xf32, #tpu.memory_space<vmem>>, vector<16xf32>,
      %mul3A_684 = arith.mulf %get3A_683, %get3A_71 : vector<16xf32>
      %get3A_685 = arith.index_cast %add3A_656 : i32 to index
      %get3A_686 = arith.constant 112 : index
      %get3A_687 = tpu.vector_load %arg10[%get3A_685, %get3A_686] {strides = array<i32>} : memref<128x128xf32, #tpu.memory_space<vmem>>, vector<16xf32>,
      %mul3A_688 = arith.mulf %get3A_687, %get3A_75 : vector<16xf32>
      %add3A_689 = arith.addf %mul3A_660, %mul3A_664 : vector<16xf32>
      %add3A_690 = arith.addf %mul3A_668, %mul3A_672 : vector<16xf32>
      %add3A_691 = arith.addf %mul3A_676, %mul3A_680 : vector<16xf32>
      %add3A_692 = arith.addf %mul3A_684, %mul3A_688 : vector<16xf32>
      %add3A_693 = arith.addf %add3A_689, %add3A_690 : vector<16xf32>
      %add3A_694 = arith.addf %add3A_691, %add3A_692 : vector<16xf32>
      %add3A_695 = arith.addf %add3A_693, %add3A_694 : vector<16xf32>
      %mul3A_696 = arith.constant 16 : i32
      %mul3A_697 = arith.muli %scan3A_81, %mul3A_696 : i32
      %add3A_698 = arith.constant 14 : i32
      %add3A_699 = arith.addi %mul3A_697, %add3A_698 : i32
      %get3A_700 = arith.index_cast %add3A_699 : i32 to index
      %get3A_701 = arith.constant 0 : index
      %get3A_702 = tpu.vector_load %arg10[%get3A_700, %get3A_701] {strides = array<i32>} : memref<128x128xf32, #tpu.memory_space<vmem>>, vector<16xf32>,
      %mul3A_703 = arith.mulf %get3A_702, %get3A_47 : vector<16xf32>
      %get3A_704 = arith.index_cast %add3A_699 : i32 to index
      %get3A_705 = arith.constant 16 : index
      %get3A_706 = tpu.vector_load %arg10[%get3A_704, %get3A_705] {strides = array<i32>} : memref<128x128xf32, #tpu.memory_space<vmem>>, vector<16xf32>,
      %mul3A_707 = arith.mulf %get3A_706, %get3A_51 : vector<16xf32>
      %get3A_708 = arith.index_cast %add3A_699 : i32 to index
      %get3A_709 = arith.constant 32 : index
      %get3A_710 = tpu.vector_load %arg10[%get3A_708, %get3A_709] {strides = array<i32>} : memref<128x128xf32, #tpu.memory_space<vmem>>, vector<16xf32>,
      %mul3A_711 = arith.mulf %get3A_710, %get3A_55 : vector<16xf32>
      %get3A_712 = arith.index_cast %add3A_699 : i32 to index
      %get3A_713 = arith.constant 48 : index
      %get3A_714 = tpu.vector_load %arg10[%get3A_712, %get3A_713] {strides = array<i32>} : memref<128x128xf32, #tpu.memory_space<vmem>>, vector<16xf32>,
      %mul3A_715 = arith.mulf %get3A_714, %get3A_59 : vector<16xf32>
      %get3A_716 = arith.index_cast %add3A_699 : i32 to index
      %get3A_717 = arith.constant 64 : index
      %get3A_718 = tpu.vector_load %arg10[%get3A_716, %get3A_717] {strides = array<i32>} : memref<128x128xf32, #tpu.memory_space<vmem>>, vector<16xf32>,
      %mul3A_719 = arith.mulf %get3A_718, %get3A_63 : vector<16xf32>
      %get3A_720 = arith.index_cast %add3A_699 : i32 to index
      %get3A_721 = arith.constant 80 : index
      %get3A_722 = tpu.vector_load %arg10[%get3A_720, %get3A_721] {strides = array<i32>} : memref<128x128xf32, #tpu.memory_space<vmem>>, vector<16xf32>,
      %mul3A_723 = arith.mulf %get3A_722, %get3A_67 : vector<16xf32>
      %get3A_724 = arith.index_cast %add3A_699 : i32 to index
      %get3A_725 = arith.constant 96 : index
      %get3A_726 = tpu.vector_load %arg10[%get3A_724, %get3A_725] {strides = array<i32>} : memref<128x128xf32, #tpu.memory_space<vmem>>, vector<16xf32>,
      %mul3A_727 = arith.mulf %get3A_726, %get3A_71 : vector<16xf32>
      %get3A_728 = arith.index_cast %add3A_699 : i32 to index
      %get3A_729 = arith.constant 112 : index
      %get3A_730 = tpu.vector_load %arg10[%get3A_728, %get3A_729] {strides = array<i32>} : memref<128x128xf32, #tpu.memory_space<vmem>>, vector<16xf32>,
      %mul3A_731 = arith.mulf %get3A_730, %get3A_75 : vector<16xf32>
      %add3A_732 = arith.addf %mul3A_703, %mul3A_707 : vector<16xf32>
      %add3A_733 = arith.addf %mul3A_711, %mul3A_715 : vector<16xf32>
      %add3A_734 = arith.addf %mul3A_719, %mul3A_723 : vector<16xf32>
      %add3A_735 = arith.addf %mul3A_727, %mul3A_731 : vector<16xf32>
      %add3A_736 = arith.addf %add3A_732, %add3A_733 : vector<16xf32>
      %add3A_737 = arith.addf %add3A_734, %add3A_735 : vector<16xf32>
      %add3A_738 = arith.addf %add3A_736, %add3A_737 : vector<16xf32>
      %mul3A_739 = arith.constant 16 : i32
      %mul3A_740 = arith.muli %scan3A_81, %mul3A_739 : i32
      %add3A_741 = arith.constant 15 : i32
      %add3A_742 = arith.addi %mul3A_740, %add3A_741 : i32
      %get3A_743 = arith.index_cast %add3A_742 : i32 to index
      %get3A_744 = arith.constant 0 : index
      %get3A_745 = tpu.vector_load %arg10[%get3A_743, %get3A_744] {strides = array<i32>} : memref<128x128xf32, #tpu.memory_space<vmem>>, vector<16xf32>,
      %mul3A_746 = arith.mulf %get3A_745, %get3A_47 : vector<16xf32>
      %get3A_747 = arith.index_cast %add3A_742 : i32 to index
      %get3A_748 = arith.constant 16 : index
      %get3A_749 = tpu.vector_load %arg10[%get3A_747, %get3A_748] {strides = array<i32>} : memref<128x128xf32, #tpu.memory_space<vmem>>, vector<16xf32>,
      %mul3A_750 = arith.mulf %get3A_749, %get3A_51 : vector<16xf32>
      %get3A_751 = arith.index_cast %add3A_742 : i32 to index
      %get3A_752 = arith.constant 32 : index
      %get3A_753 = tpu.vector_load %arg10[%get3A_751, %get3A_752] {strides = array<i32>} : memref<128x128xf32, #tpu.memory_space<vmem>>, vector<16xf32>,
      %mul3A_754 = arith.mulf %get3A_753, %get3A_55 : vector<16xf32>
      %get3A_755 = arith.index_cast %add3A_742 : i32 to index
      %get3A_756 = arith.constant 48 : index
      %get3A_757 = tpu.vector_load %arg10[%get3A_755, %get3A_756] {strides = array<i32>} : memref<128x128xf32, #tpu.memory_space<vmem>>, vector<16xf32>,
      %mul3A_758 = arith.mulf %get3A_757, %get3A_59 : vector<16xf32>
      %get3A_759 = arith.index_cast %add3A_742 : i32 to index
      %get3A_760 = arith.constant 64 : index
      %get3A_761 = tpu.vector_load %arg10[%get3A_759, %get3A_760] {strides = array<i32>} : memref<128x128xf32, #tpu.memory_space<vmem>>, vector<16xf32>,
      %mul3A_762 = arith.mulf %get3A_761, %get3A_63 : vector<16xf32>
      %get3A_763 = arith.index_cast %add3A_742 : i32 to index
      %get3A_764 = arith.constant 80 : index
      %get3A_765 = tpu.vector_load %arg10[%get3A_763, %get3A_764] {strides = array<i32>} : memref<128x128xf32, #tpu.memory_space<vmem>>, vector<16xf32>,
      %mul3A_766 = arith.mulf %get3A_765, %get3A_67 : vector<16xf32>
      %get3A_767 = arith.index_cast %add3A_742 : i32 to index
      %get3A_768 = arith.constant 96 : index
      %get3A_769 = tpu.vector_load %arg10[%get3A_767, %get3A_768] {strides = array<i32>} : memref<128x128xf32, #tpu.memory_space<vmem>>, vector<16xf32>,
      %mul3A_770 = arith.mulf %get3A_769, %get3A_71 : vector<16xf32>
      %get3A_771 = arith.index_cast %add3A_742 : i32 to index
      %get3A_772 = arith.constant 112 : index
      %get3A_773 = tpu.vector_load %arg10[%get3A_771, %get3A_772] {strides = array<i32>} : memref<128x128xf32, #tpu.memory_space<vmem>>, vector<16xf32>,
      %mul3A_774 = arith.mulf %get3A_773, %get3A_75 : vector<16xf32>
      %add3A_775 = arith.addf %mul3A_746, %mul3A_750 : vector<16xf32>
      %add3A_776 = arith.addf %mul3A_754, %mul3A_758 : vector<16xf32>
      %add3A_777 = arith.addf %mul3A_762, %mul3A_766 : vector<16xf32>
      %add3A_778 = arith.addf %mul3A_770, %mul3A_774 : vector<16xf32>
      %add3A_779 = arith.addf %add3A_775, %add3A_776 : vector<16xf32>
      %add3A_780 = arith.addf %add3A_777, %add3A_778 : vector<16xf32>
      %add3A_781 = arith.addf %add3A_779, %add3A_780 : vector<16xf32>
      %broadcast_in_dim3A = arith.constant 0 : i32
      %broadcast_in_dim3A_782 = vector.broadcast %broadcast_in_dim3A : i32 to vector<16xi32>
      tpu.vector_store_idx %arg14[%iota3A, %broadcast_in_dim3A_782], %add3A_136 : memref<16x16xf32, #tpu.memory_space<vmem>>[vector<16xi32>, vector<16xi32>], vector<16xf32>,
      %broadcast_in_dim3A_783 = arith.constant 1 : i32
      %broadcast_in_dim3A_784 = vector.broadcast %broadcast_in_dim3A_783 : i32 to vector<16xi32>
      tpu.vector_store_idx %arg14[%iota3A, %broadcast_in_dim3A_784], %add3A_179 : memref<16x16xf32, #tpu.memory_space<vmem>>[vector<16xi32>, vector<16xi32>], vector<16xf32>,
      %broadcast_in_dim3A_785 = arith.constant 2 : i32
      %broadcast_in_dim3A_786 = vector.broadcast %broadcast_in_dim3A_785 : i32 to vector<16xi32>
      tpu.vector_store_idx %arg14[%iota3A, %broadcast_in_dim3A_786], %add3A_222 : memref<16x16xf32, #tpu.memory_space<vmem>>[vector<16xi32>, vector<16xi32>], vector<16xf32>,
      %broadcast_in_dim3A_787 = arith.constant 3 : i32
      %broadcast_in_dim3A_788 = vector.broadcast %broadcast_in_dim3A_787 : i32 to vector<16xi32>
      tpu.vector_store_idx %arg14[%iota3A, %broadcast_in_dim3A_788], %add3A_265 : memref<16x16xf32, #tpu.memory_space<vmem>>[vector<16xi32>, vector<16xi32>], vector<16xf32>,
      %broadcast_in_dim3A_789 = arith.constant 4 : i32
      %broadcast_in_dim3A_790 = vector.broadcast %broadcast_in_dim3A_789 : i32 to vector<16xi32>
      tpu.vector_store_idx %arg14[%iota3A, %broadcast_in_dim3A_790], %add3A_308 : memref<16x16xf32, #tpu.memory_space<vmem>>[vector<16xi32>, vector<16xi32>], vector<16xf32>,
      %broadcast_in_dim3A_791 = arith.constant 5 : i32
      %broadcast_in_dim3A_792 = vector.broadcast %broadcast_in_dim3A_791 : i32 to vector<16xi32>
      tpu.vector_store_idx %arg14[%iota3A, %broadcast_in_dim3A_792], %add3A_351 : memref<16x16xf32, #tpu.memory_space<vmem>>[vector<16xi32>, vector<16xi32>], vector<16xf32>,
      %broadcast_in_dim3A_793 = arith.constant 6 : i32
      %broadcast_in_dim3A_794 = vector.broadcast %broadcast_in_dim3A_793 : i32 to vector<16xi32>
      tpu.vector_store_idx %arg14[%iota3A, %broadcast_in_dim3A_794], %add3A_394 : memref<16x16xf32, #tpu.memory_space<vmem>>[vector<16xi32>, vector<16xi32>], vector<16xf32>,
      %broadcast_in_dim3A_795 = arith.constant 7 : i32
      %broadcast_in_dim3A_796 = vector.broadcast %broadcast_in_dim3A_795 : i32 to vector<16xi32>
      tpu.vector_store_idx %arg14[%iota3A, %broadcast_in_dim3A_796], %add3A_437 : memref<16x16xf32, #tpu.memory_space<vmem>>[vector<16xi32>, vector<16xi32>], vector<16xf32>,
      %broadcast_in_dim3A_797 = arith.constant 8 : i32
      %broadcast_in_dim3A_798 = vector.broadcast %broadcast_in_dim3A_797 : i32 to vector<16xi32>
      tpu.vector_store_idx %arg14[%iota3A, %broadcast_in_dim3A_798], %add3A_480 : memref<16x16xf32, #tpu.memory_space<vmem>>[vector<16xi32>, vector<16xi32>], vector<16xf32>,
      %broadcast_in_dim3A_799 = arith.constant 9 : i32
      %broadcast_in_dim3A_800 = vector.broadcast %broadcast_in_dim3A_799 : i32 to vector<16xi32>
      tpu.vector_store_idx %arg14[%iota3A, %broadcast_in_dim3A_800], %add3A_523 : memref<16x16xf32, #tpu.memory_space<vmem>>[vector<16xi32>, vector<16xi32>], vector<16xf32>,
      %broadcast_in_dim3A_801 = arith.constant 10 : i32
      %broadcast_in_dim3A_802 = vector.broadcast %broadcast_in_dim3A_801 : i32 to vector<16xi32>
      tpu.vector_store_idx %arg14[%iota3A, %broadcast_in_dim3A_802], %add3A_566 : memref<16x16xf32, #tpu.memory_space<vmem>>[vector<16xi32>, vector<16xi32>], vector<16xf32>,
      %broadcast_in_dim3A_803 = arith.constant 11 : i32
      %broadcast_in_dim3A_804 = vector.broadcast %broadcast_in_dim3A_803 : i32 to vector<16xi32>
      tpu.vector_store_idx %arg14[%iota3A, %broadcast_in_dim3A_804], %add3A_609 : memref<16x16xf32, #tpu.memory_space<vmem>>[vector<16xi32>, vector<16xi32>], vector<16xf32>,
      %broadcast_in_dim3A_805 = arith.constant 12 : i32
      %broadcast_in_dim3A_806 = vector.broadcast %broadcast_in_dim3A_805 : i32 to vector<16xi32>
      tpu.vector_store_idx %arg14[%iota3A, %broadcast_in_dim3A_806], %add3A_652 : memref<16x16xf32, #tpu.memory_space<vmem>>[vector<16xi32>, vector<16xi32>], vector<16xf32>,
      %broadcast_in_dim3A_807 = arith.constant 13 : i32
      %broadcast_in_dim3A_808 = vector.broadcast %broadcast_in_dim3A_807 : i32 to vector<16xi32>
      tpu.vector_store_idx %arg14[%iota3A, %broadcast_in_dim3A_808], %add3A_695 : memref<16x16xf32, #tpu.memory_space<vmem>>[vector<16xi32>, vector<16xi32>], vector<16xf32>,
      %broadcast_in_dim3A_809 = arith.constant 14 : i32
      %broadcast_in_dim3A_810 = vector.broadcast %broadcast_in_dim3A_809 : i32 to vector<16xi32>
      tpu.vector_store_idx %arg14[%iota3A, %broadcast_in_dim3A_810], %add3A_738 : memref<16x16xf32, #tpu.memory_space<vmem>>[vector<16xi32>, vector<16xi32>], vector<16xf32>,
      %broadcast_in_dim3A_811 = arith.constant 15 : i32
      %broadcast_in_dim3A_812 = vector.broadcast %broadcast_in_dim3A_811 : i32 to vector<16xi32>
      tpu.vector_store_idx %arg14[%iota3A, %broadcast_in_dim3A_812], %add3A_781 : memref<16x16xf32, #tpu.memory_space<vmem>>[vector<16xi32>, vector<16xi32>], vector<16xf32>,
      %get3A_813 = arith.constant 0 : i32
      %get3A_814 = arith.index_cast %get3A_813 : i32 to index
      %get3A_815 = arith.constant 0 : index
      %get3A_816 = tpu.vector_load %arg14[%get3A_814, %get3A_815] {strides = array<i32>} : memref<16x16xf32, #tpu.memory_space<vmem>>, vector<16xf32>,
      %get3A_817 = arith.constant 1 : i32
      %get3A_818 = arith.index_cast %get3A_817 : i32 to index
      %get3A_819 = arith.constant 0 : index
      %get3A_820 = tpu.vector_load %arg14[%get3A_818, %get3A_819] {strides = array<i32>} : memref<16x16xf32, #tpu.memory_space<vmem>>, vector<16xf32>,
      %add3A_821 = arith.addf %get3A_816, %get3A_820 : vector<16xf32>
      %get3A_822 = arith.constant 2 : i32
      %get3A_823 = arith.index_cast %get3A_822 : i32 to index
      %get3A_824 = arith.constant 0 : index
      %get3A_825 = tpu.vector_load %arg14[%get3A_823, %get3A_824] {strides = array<i32>} : memref<16x16xf32, #tpu.memory_space<vmem>>, vector<16xf32>,
      %add3A_826 = arith.addf %add3A_821, %get3A_825 : vector<16xf32>
      %get3A_827 = arith.constant 3 : i32
      %get3A_828 = arith.index_cast %get3A_827 : i32 to index
      %get3A_829 = arith.constant 0 : index
      %get3A_830 = tpu.vector_load %arg14[%get3A_828, %get3A_829] {strides = array<i32>} : memref<16x16xf32, #tpu.memory_space<vmem>>, vector<16xf32>,
      %add3A_831 = arith.addf %add3A_826, %get3A_830 : vector<16xf32>
      %get3A_832 = arith.constant 4 : i32
      %get3A_833 = arith.index_cast %get3A_832 : i32 to index
      %get3A_834 = arith.constant 0 : index
      %get3A_835 = tpu.vector_load %arg14[%get3A_833, %get3A_834] {strides = array<i32>} : memref<16x16xf32, #tpu.memory_space<vmem>>, vector<16xf32>,
      %add3A_836 = arith.addf %add3A_831, %get3A_835 : vector<16xf32>
      %get3A_837 = arith.constant 5 : i32
      %get3A_838 = arith.index_cast %get3A_837 : i32 to index
      %get3A_839 = arith.constant 0 : index
      %get3A_840 = tpu.vector_load %arg14[%get3A_838, %get3A_839] {strides = array<i32>} : memref<16x16xf32, #tpu.memory_space<vmem>>, vector<16xf32>,
      %add3A_841 = arith.addf %add3A_836, %get3A_840 : vector<16xf32>
      %get3A_842 = arith.constant 6 : i32
      %get3A_843 = arith.index_cast %get3A_842 : i32 to index
      %get3A_844 = arith.constant 0 : index
      %get3A_845 = tpu.vector_load %arg14[%get3A_843, %get3A_844] {strides = array<i32>} : memref<16x16xf32, #tpu.memory_space<vmem>>, vector<16xf32>,
      %add3A_846 = arith.addf %add3A_841, %get3A_845 : vector<16xf32>
      %get3A_847 = arith.constant 7 : i32
      %get3A_848 = arith.index_cast %get3A_847 : i32 to index
      %get3A_849 = arith.constant 0 : index
      %get3A_850 = tpu.vector_load %arg14[%get3A_848, %get3A_849] {strides = array<i32>} : memref<16x16xf32, #tpu.memory_space<vmem>>, vector<16xf32>,
      %add3A_851 = arith.addf %add3A_846, %get3A_850 : vector<16xf32>
      %get3A_852 = arith.constant 8 : i32
      %get3A_853 = arith.index_cast %get3A_852 : i32 to index
      %get3A_854 = arith.constant 0 : index
      %get3A_855 = tpu.vector_load %arg14[%get3A_853, %get3A_854] {strides = array<i32>} : memref<16x16xf32, #tpu.memory_space<vmem>>, vector<16xf32>,
      %add3A_856 = arith.addf %add3A_851, %get3A_855 : vector<16xf32>
      %get3A_857 = arith.constant 9 : i32
      %get3A_858 = arith.index_cast %get3A_857 : i32 to index
      %get3A_859 = arith.constant 0 : index
      %get3A_860 = tpu.vector_load %arg14[%get3A_858, %get3A_859] {strides = array<i32>} : memref<16x16xf32, #tpu.memory_space<vmem>>, vector<16xf32>,
      %add3A_861 = arith.addf %add3A_856, %get3A_860 : vector<16xf32>
      %get3A_862 = arith.constant 10 : i32
      %get3A_863 = arith.index_cast %get3A_862 : i32 to index
      %get3A_864 = arith.constant 0 : index
      %get3A_865 = tpu.vector_load %arg14[%get3A_863, %get3A_864] {strides = array<i32>} : memref<16x16xf32, #tpu.memory_space<vmem>>, vector<16xf32>,
      %add3A_866 = arith.addf %add3A_861, %get3A_865 : vector<16xf32>
      %get3A_867 = arith.constant 11 : i32
      %get3A_868 = arith.index_cast %get3A_867 : i32 to index
      %get3A_869 = arith.constant 0 : index
      %get3A_870 = tpu.vector_load %arg14[%get3A_868, %get3A_869] {strides = array<i32>} : memref<16x16xf32, #tpu.memory_space<vmem>>, vector<16xf32>,
      %add3A_871 = arith.addf %add3A_866, %get3A_870 : vector<16xf32>
      %get3A_872 = arith.constant 12 : i32
      %get3A_873 = arith.index_cast %get3A_872 : i32 to index
      %get3A_874 = arith.constant 0 : index
      %get3A_875 = tpu.vector_load %arg14[%get3A_873, %get3A_874] {strides = array<i32>} : memref<16x16xf32, #tpu.memory_space<vmem>>, vector<16xf32>,
      %add3A_876 = arith.addf %add3A_871, %get3A_875 : vector<16xf32>
      %get3A_877 = arith.constant 13 : i32
      %get3A_878 = arith.index_cast %get3A_877 : i32 to index
      %get3A_879 = arith.constant 0 : index
      %get3A_880 = tpu.vector_load %arg14[%get3A_878, %get3A_879] {strides = array<i32>} : memref<16x16xf32, #tpu.memory_space<vmem>>, vector<16xf32>,
      %add3A_881 = arith.addf %add3A_876, %get3A_880 : vector<16xf32>
      %get3A_882 = arith.constant 14 : i32
      %get3A_883 = arith.index_cast %get3A_882 : i32 to index
      %get3A_884 = arith.constant 0 : index
      %get3A_885 = tpu.vector_load %arg14[%get3A_883, %get3A_884] {strides = array<i32>} : memref<16x16xf32, #tpu.memory_space<vmem>>, vector<16xf32>,
      %add3A_886 = arith.addf %add3A_881, %get3A_885 : vector<16xf32>
      %get3A_887 = arith.constant 15 : i32
      %get3A_888 = arith.index_cast %get3A_887 : i32 to index
      %get3A_889 = arith.constant 0 : index
      %get3A_890 = tpu.vector_load %arg14[%get3A_888, %get3A_889] {strides = array<i32>} : memref<16x16xf32, #tpu.memory_space<vmem>>, vector<16xf32>,
      %add3A_891 = arith.addf %add3A_886, %get3A_890 : vector<16xf32>
      %mul3A_892 = arith.constant 16 : i32
      %mul3A_893 = arith.muli %scan3A_81, %mul3A_892 : i32
      %swap3A = arith.index_cast %mul3A_893 : i32 to index
      %swap3A_894 = tpu.vector_load %arg15[%swap3A] {strides = array<i32>} : memref<128xf32, #tpu.memory_space<vmem>>, vector<16xf32>,
      tpu.vector_store %arg15[%swap3A], %add3A_891 {strides = array<i32>} : memref<128xf32, #tpu.memory_space<vmem>>, vector<16xf32>,
    }
    %scan3A_80 = arith.constant 8 : i32
    "tpu.region"() ({
      %run_scoped3A = tpu.sem_alloc : memref<!tpu.dma_semaphore, #tpu.memory_space<semaphore_mem>>
      %dma_start3A_81 = tpu.memref_slice %arg8[%mul3A_2] : memref<4096xf32, #tpu.memory_space<hbm>> -> memref<128xf32, #tpu.memory_space<hbm>>
      %dma_start3A_82 = tpu.memref_slice %arg8[%mul3A_2] : memref<4096xf32, #tpu.memory_space<hbm>> -> memref<128xf32, #tpu.memory_space<hbm>>
      tpu.enqueue_dma source(%arg15 : memref<128xf32, #tpu.memory_space<vmem>>) target(%dma_start3A_82 : memref<128xf32, #tpu.memory_space<hbm>>) target_semaphore(%run_scoped3A : memref<!tpu.dma_semaphore, #tpu.memory_space<semaphore_mem>>)
      %dma_wait3A_83 = tpu.memref_slice %arg8[%mul3A_2] : memref<4096xf32, #tpu.memory_space<hbm>> -> memref<128xf32, #tpu.memory_space<hbm>>
      %dma_wait3A_84 = tpu.memref_slice %arg8[%mul3A_2] : memref<4096xf32, #tpu.memory_space<hbm>> -> memref<128xf32, #tpu.memory_space<hbm>>
      tpu.wait_dma2 semaphore(%run_scoped3A : memref<!tpu.dma_semaphore, #tpu.memory_space<semaphore_mem>>) src(%arg15 : memref<128xf32, #tpu.memory_space<vmem>>) dst(%dma_wait3A_84 : memref<128xf32, #tpu.memory_space<hbm>>)
      tpu.yield
    }) : () -> ()
    return
  }
}

module attributes {stable_mosaic.version = 14 : i64} {
  func.func @_tc_loss_body(%arg0: memref<32x128xf32, #tpu.memory_space<vmem>>, %arg1: memref<1x1xf32, #tpu.memory_space<smem>>) attributes {dimension_semantics = [], scalar_prefetch = 0 : i64, scratch_operands = 0 : i64, tpu.core_type = #tpu.core_type<tc>} {
    %get3A = arith.constant 0 : index
    %get3A_0 = arith.constant 0 : index
    %get3A_1 = vector.load %arg0[%get3A, %get3A_0] : memref<32x128xf32, #tpu.memory_space<vmem>>, vector<32x128xf32>
    %jit3A = arith.constant -2.000000e+01 : f32
    %jit3A_2 = arith.constant 2.000000e+01 : f32
    %max3A = vector.broadcast %jit3A : f32 to vector<32x128xf32>
    %max3A_3 = arith.maximumf %max3A, %get3A_1 : vector<32x128xf32>
    %min3A = vector.broadcast %jit3A_2 : f32 to vector<32x128xf32>
    %min3A_4 = arith.minimumf %min3A, %max3A_3 : vector<32x128xf32>
    %logistic3A = arith.negf %min3A_4 : vector<32x128xf32>
    %logistic3A_5 = math.exp %logistic3A : vector<32x128xf32>
    %logistic3A_6 = arith.constant 1.000000e+00 : f32
    %logistic3A_7 = vector.broadcast %logistic3A_6 : f32 to vector<32x128xf32>
    %logistic3A_8 = arith.addf %logistic3A_7, %logistic3A_5 : vector<32x128xf32>
    %logistic3A_9 = arith.divf %logistic3A_7, %logistic3A_8 : vector<32x128xf32>
    %iota3A = tpu.iota {dimensions = array<i32: 0>} : vector<32x128xi32>
    %iota3A_10 = tpu.iota {dimensions = array<i32: 1>} : vector<32x128xi32>
    %eq3A = arith.constant 0 : i32
    %eq3A_11 = vector.broadcast %eq3A : i32 to vector<32x128xi32>
    %eq3A_12 = arith.cmpi eq, %iota3A, %eq3A_11 : vector<32x128xi32>
    %eq3A_13 = arith.constant 0 : i32
    %eq3A_14 = vector.broadcast %eq3A_13 : i32 to vector<32x128xi32>
    %eq3A_15 = arith.cmpi eq, %iota3A_10, %eq3A_14 : vector<32x128xi32>
    %and3A = arith.andi %eq3A_12, %eq3A_15 : vector<32x128xi1>
    %log3A = math.log %logistic3A_9 : vector<32x128xf32>
    %sub3A = arith.constant 1.000000e+00 : f32
    %sub3A_16 = vector.broadcast %sub3A : f32 to vector<32x128xf32>
    %sub3A_17 = arith.subf %sub3A_16, %logistic3A_9 : vector<32x128xf32>
    %log3A_18 = math.log %sub3A_17 : vector<32x128xf32>
    %select_n3A = arith.select %and3A, %log3A, %log3A_18 : vector<32x128xi1>, vector<32x128xf32>
    %reduce_sum3A = vector.shape_cast %select_n3A : vector<32x128xf32> to vector<1x32x128xf32>
    %reduce_sum3A_19 = arith.constant dense<0.000000e+00> : vector<1xf32>
    %reduce_sum3A_20 = vector.multi_reduction <add>, %reduce_sum3A, %reduce_sum3A_19 [1, 2] : vector<1x32x128xf32> to vector<1xf32>
    %reduce_sum3A_21 = vector.shape_cast %reduce_sum3A_20 : vector<1xf32> to vector<1x1x1xf32>
    %reduce_sum3A_22 = vector.extract %reduce_sum3A_21[0, 0, 0] : f32 from vector<1x1x1xf32>
    %neg3A = arith.constant 0.000000e+00 : f32
    %neg3A_23 = arith.subf %neg3A, %reduce_sum3A_22 : f32
    %div3A = arith.constant 4.096000e+03 : f32
    %div3A_24 = arith.divf %neg3A_23, %div3A : f32
    %swap3A = arith.constant 0 : index
    %swap3A_25 = arith.constant 0 : index
    %swap3A_26 = memref.load %arg1[%swap3A, %swap3A_25] : memref<1x1xf32, #tpu.memory_space<smem>>
    memref.store %div3A_24, %arg1[%swap3A, %swap3A_25] : memref<1x1xf32, #tpu.memory_space<smem>>
    return
  }
}

</mosaic_0001>

<sc_bundles>
// kernel: kernel.4.cloned.1.call-start
scs
__scs_entry_jumppad:
0x0: {  	(pc) =	sbr.rel $0x88, $3  }
0x1: {  	(tag) =	ssettag $0x0;
	lr =	simm.s32 $0x1  }
0x2: {  	[smem:$0x3F9B] =	sst lr;
	_ =	strace $0xD0000000  }
0x3: {  	_ = 	snop  }
0x4: {  	_ = 	snop  }
0x5: {  	_ = 	snop  }
0x6: {  	_ = 	snop  }
0x7: {  	_ = 	snop  }
__scs_overlays_trampoline_lowered:
0x8: {  	[smem:$0x3FAA] =	sst s0  }
0x9: {  	[smem:$0x3FAB] =	sst s1  }
0xa: {  	[smem:$0x3FAC] =	sst s2  }
0xb: {  	[smem:$0x3FAD] =	sst s3  }
0xc: {  	[smem:$0x3FAE] =	sst s4  }
0xd: {  	[smem:$0x3FAF] =	sst s5  }
0xe: {  	[smem:$0x3FB0] =	sst s6  }
0xf: {  	[smem:$0x3FB1] =	sst s7  }
0x10: {  	[smem:$0x3FB2] =	sst s8  }
0x11: {  	[smem:$0x3FB3] =	sst s9;
	s0 =	simm.s32 @!p0 $0x0  }
0x12: {  	s1 =	sld [smem:$0x3F99];
	s0 =	simm.s32 @p0 $0x1  }
0x13: {  	[smem:$0x3FB4] =	sst s0;
	s0 =	simm.s32 @!p1 $0x0  }
0x14: {  	s2 =	sld [smem:$0x3F98];
	s0 =	simm.s32 @p1 $0x1  }
0x15: {  	[smem:$0x3FB5] =	sst s0;
	s0 =	simm.s32 @!p2 $0x0  }
0x16: {  	s3 =	sld [smem:$0x3FDB];
	s0 =	simm.s32 @p2 $0x1  }
0x17: {  	s4 =	simm.s32 $0x1BF5;
	[smem:$0x3FB7] =	sst s0  }
0x18: {  	s0 =	sld [smem:$0x3F9A];
	_ =	swait.ge [sflag:s4], $0x0  }
0x19: {  	s7 =	sld [smem:$0x3F9B]  }
0x1a: {  	s8 =	sadd.s32 $0xFFFFE003, lr  }
0x1b: {  	s9 =	sadd.s32 $0xFFFFFEF7, lr;
	s5 =	simm.s32 $0xFFFFFFFF;
	p2 =	slt.u32 s8, $0xFFFFF086  }
0x1c: {  	p1 =	slt.u32 s9, $0xF7A;
	s5 =	simm.s32 @!p2 $0x0  }
0x1d: {  	s5 =	simm.s32 @p1 $0x1;
	p0 =	seq.s32 s7, s2  }
0x1e: {  	s7 =	smul.u32 @!p0 $0xF7A, s2;
	p2 =	seq.s32 @!p0 s5, $0x0  }
0x1f: {  	s9 =	smul.u32 $0xF7A, s1;
	s8 =	simm.s32 @!p0 $0x1BF5;
	p2 =	por !p2, p0  }
0x20: {  	[sflag:s8] =	ssyncset.s32 @!p0 $0xFFFFF086;
	s6 =	sadd.s32 @!p0 s3, s7;
	s7 =	simm.s32 @!p0 $0x108  }
0x21: {  	s3 =	sadd.s32 s3, s9;
	s6 =	sadd.s32 @!p0 $0x88, s6;
	s7 =	simm.s32 @p2 $0x1082  }
0x22: {  	[simem:s7], [sflag:s8] =	dma.local @!p0 [hbm:s6], $0xF7A  }
0x23: {  	s9 =	sor.u32 $0xD0000000, s2;
	s6 =	simm.s32 $0x108;
	_ =	swait.ge @!p0 [sflag:s8], $0x0  }
0x24: {  	s3 =	sadd.s32 $0x88, s3;
	s6 =	simm.s32 @!p1 $0x1082;
	[sflag:s4] =	ssyncset.s32 $0xFFFFF086  }
0x25: {  	[simem:s6], [sflag:s4] =	dma.local [hbm:s3], $0xF7A  }
0x26: {  	[smem:$0x3F9B] =	sst s1;
	(tag) =	ssettag s2;
	_ =	strace s9  }
0x27: {  	s1 =	sld [smem:$0x3FAB]  }
0x28: {  	s2 =	sld [smem:$0x3FAC]  }
0x29: {  	s4 =	sld [smem:$0x3FAE]  }
0x2a: {  	p0 =	seq.s32 s5, $0x0;
	s5 =	sld [smem:$0x3FAF]  }
0x2b: {  	s6 =	sld [smem:$0x3FB0]  }
0x2c: {  	s7 =	sld [smem:$0x3FB1]  }
0x2d: {  	s3 =	simm.s32 $0x108;
	s8 =	sld [smem:$0x3FB2]  }
0x2e: {  	s3 =	simm.s32 @!p0 $0x1082;
	s9 =	sld [smem:$0x3FB3]  }
0x2f: {  	lr =	sadd.s32 s0, s3;
	s0 =	sld [smem:$0x3FAA]  }
0x30: {  	s3 =	sld [smem:$0x3FAD]  }
0x31: {  	[smem:$0x3FB6] =	sst s10  }
0x32: {  	s10 =	sld [smem:$0x3FB4];
	_ =	sdelay $0x3  }
0x33: {  	p0 =	seq.s32 s10, $0x1;
	s10 =	sld [smem:$0x3FB6];
	_ =	sdelay $0x3  }
0x34: {  	[smem:$0x3FB6] =	sst s10  }
0x35: {  	s10 =	sld [smem:$0x3FB5];
	_ =	sdelay $0x3  }
0x36: {  	p1 =	seq.s32 s10, $0x1;
	s10 =	sld [smem:$0x3FB6];
	_ =	sdelay $0x3  }
0x37: {  	[smem:$0x3FB6] =	sst s10  }
0x38: {  	s10 =	sld [smem:$0x3FB7]  }
0x39: {  	_ = 	snop;
	(pc) =	sbr.ind lr, $3  }
0x3a: {  	_ = 	snop  }
0x3b: {  	_ = 	snop  }
0x3c: {  	p2 =	seq.s32 s10, $0x1;
	s10 =	sld [smem:$0x3FB6]  }
0x3d: {  	_ =	shalt  }
0x3e: {  	_ =	shalt  }
0x3f: {  	_ =	shalt  }
0x40: {  	_ =	shalt  }
0x41: {  	_ =	shalt  }
0x42: {  	_ =	shalt  }
0x43: {  	_ =	shalt  }
0x44: {  	_ =	shalt  }
0x45: {  	_ =	shalt  }
0x46: {  	_ =	shalt  }
0x47: {  	_ =	shalt  }
0x48: {  	_ =	shalt  }
0x49: {  	_ =	shalt  }
0x4a: {  	_ =	shalt  }
0x4b: {  	_ =	shalt  }
0x4c: {  	_ =	shalt  }
0x4d: {  	_ =	shalt  }
0x4e: {  	_ =	shalt  }
0x4f: {  	_ =	shalt  }
0x50: {  	_ =	shalt  }
0x51: {  	_ =	shalt  }
0x52: {  	_ =	shalt  }
0x53: {  	_ =	shalt  }
0x54: {  	_ =	shalt  }
0x55: {  	_ =	shalt  }
0x56: {  	_ =	shalt  }
0x57: {  	_ =	shalt  }
0x58: {  	_ =	shalt  }
0x59: {  	_ =	shalt  }
0x5a: {  	_ =	shalt  }
0x5b: {  	_ =	shalt  }
0x5c: {  	_ =	shalt  }
0x5d: {  	_ =	shalt  }
0x5e: {  	_ =	shalt  }
0x5f: {  	_ =	shalt  }
0x60: {  	_ =	shalt  }
0x61: {  	_ =	shalt  }
0x62: {  	_ =	shalt  }
0x63: {  	_ =	shalt  }
0x64: {  	_ =	shalt  }
0x65: {  	_ =	shalt  }
0x66: {  	_ =	shalt  }
0x67: {  	_ =	shalt  }
0x68: {  	_ =	shalt  }
0x69: {  	_ =	shalt  }
0x6a: {  	_ =	shalt  }
0x6b: {  	_ =	shalt  }
0x6c: {  	_ =	shalt  }
0x6d: {  	_ =	shalt  }
0x6e: {  	_ =	shalt  }
0x6f: {  	_ =	shalt  }
0x70: {  	_ =	shalt  }
0x71: {  	_ =	shalt  }
0x72: {  	_ =	shalt  }
0x73: {  	_ =	shalt  }
0x74: {  	_ =	shalt  }
0x75: {  	_ =	shalt  }
0x76: {  	_ =	shalt  }
0x77: {  	_ =	shalt  }
0x78: {  	_ =	shalt  }
0x79: {  	_ =	shalt  }
0x7a: {  	_ =	shalt  }
0x7b: {  	_ =	shalt  }
0x7c: {  	_ =	shalt  }
0x7d: {  	_ =	shalt  }
0x7e: {  	_ =	shalt  }
0x7f: {  	_ =	shalt  }
0x80: {  	_ =	shalt  }
0x81: {  	_ =	shalt  }
0x82: {  	_ =	shalt  }
0x83: {  	_ =	shalt  }
0x84: {  	_ =	shalt  }
0x85: {  	_ =	shalt  }
0x86: {  	_ =	shalt  }
0x87: {  	_ =	shalt  }
.Lfunc_end0:
.L_simem_size_0:
called_computation_lowered:
.L_overlay_start_0:
0x88: {  	s2 =	sld [smem:$0x3FD9]  }
0x89: {  	s3 =	sld [smem:$0x3FFE];
	_ =	sdelay $0x1  }
0x8a: {  	s1 =	srdreg.scid  }
0x8b: {  	s0 =	sand.u32 $0x1, s1  }
0x8c: {  	s17 =	sshll.u32 s0, $0xA;
	s2 =	sadd.s32 s3, s2  }
0x8d: {  	s2 =	sadd.s32 s2, s17  }
0x8e: {  	[smem:$0x3FC2] =	sst s2  }
0x8f: {  	_ = 	snop  }
0x90: {  	s2 =	sld [smem:$0x3FC9]  }
0x91: {  	s18 =	sld [smem:$0x3FC8]  }
0x92: {  	s4 =	sld [smem:$0x3FC7]  }
0x93: {  	s5 =	sld [smem:$0x3FC6]  }
0x94: {  	s6 =	sld [smem:$0x3FC5]  }
0x95: {  	s7 =	sld [smem:$0x3FC4];
	(tm) =	ssettm $0x1  }
0x96: {  	s8 =	sld [smem:$0x3FFB];
	_ =	sdelay $0x3  }
0x97: {  	_ =	strace s8  }
0x98: {  	s8 =	sld [smem:$0x3FFC];
	_ =	sdelay $0x3  }
0x99: {  	_ =	strace s8  }
0x9a: {  	s8 =	sld [smem:$0x3FFD];
	_ =	sdelay $0x3  }
0x9b: {  	_ =	strace s8  }
0x9c: {  	_ =	strace $0x8FFFFFFF  }
0x9d: {  	s19 =	sld [smem:$0x3FDB];
	_ =	sdelay $0x1  }
0x9e: {  	s9 =	simm.s32 $_scs_section_size  }
0x9f: {  	s10 =	simm.s32 $_size__tile_overlayer_lowered;
	s11 =	simm.s32 $_tile_overlayer_lowered  }
0xa0: {  	s22 =	simm.s32 $0x1BFF;
	s21 =	sshll.u32 s11, $0x1;
	s8 =	sadd.s32 s9, s19  }
0xa1: {  	s12 =	simm.s32 $0x0;
	s20 =	sshll.u32 s10, $0x1;
	s10 =	sadd.s32 s21, s8  }
0xa2: {  	[timem:s12], [sflag:s22] =	dma.local [hbm:s10], s20  }
0xa3: {  	_ =	swait.ge [sflag:s22], s20  }
0xa4: {  	s9 =	ssub.s32 $0x0, s20;
	[sflag:s22] =	ssyncset.done $0x0  }
0xa5: {  	[sflag:s22] =	ssyncadd.s32 s9;
	_ =	sdelay $0x1  }
0xa6: {  	s23 =	simm.s32 $0x1B8B  }
0xa7: {  	_ =	swait.ge [sflag:s23], $0x1  }
0xa8: {  	[sflag:s23] =	ssyncset.done $0x0  }
0xa9: {  	s25 =	simm.s32 $0x1B8E;
	s24 =	sld [smem:$0x3FFE];
	[sflag:s23] =	ssyncadd.s32 $0xFFFFFFFF  }
0xaa: {  	s26 =	simm.s32 $execute0_lowered;
	[smem:$0x3FD2] =	sst s25  }
0xab: {  	s10 =	sshll.u32 s26, $0x1;
	_ =	strace $0x80000046;
	[dreg:$0x1] =	wrdreg $0xFFFFFFFF  }
0xac: {  	s28 =	simm.s32 $_size_execute0_lowered;
	s8 =	sadd.s32 s8, s10;
	[dreg:$0x0] =	wrdreg $0x0  }
0xad: {  	s10 =	sshll.u32 s28, $0x1;
	[dreg:$0x2] =	wrdreg s8  }
0xae: {  	[dreg:$0x3] =	wrdreg s10  }
0xaf: {  	[dreg:$0x4] =	wrdreg $0xC0  }
0xb0: {  	_ =	task [dreg:s12], $0x5FFFF  }
0xb1: {  	[dreg:$0x1] =	wrdreg $0xFFFFFFFF  }
0xb2: {  	[dreg:$0x0] =	wrdreg $0x60  }
0xb3: {  	[dreg:$0x2] =	wrdreg s18  }
0xb4: {  	[dreg:$0x3] =	wrdreg s4  }
0xb5: {  	[dreg:$0x4] =	wrdreg s2  }
0xb6: {  	[dreg:$0x5] =	wrdreg s6  }
0xb7: {  	[dreg:$0x6] =	wrdreg s7  }
0xb8: {  	[dreg:$0x7] =	wrdreg s5  }
0xb9: {  	[dreg:$0x8] =	wrdreg s24  }
0xba: {  	[dreg:$0x9] =	wrdreg $0x9  }
0xbb: {  	_ =	task.clear_ibuf [dreg:s12], $0xAFFFF;
	_ =	strace $0x90000046  }
0xbc: {  	s29 =	simm.s32 $0x9;
	_ =	strace $0x80000048  }
0xbd: {  	_ =	swait.ge [sflag:s29], $0x1  }
0xbe: {  	[sflag:s29] =	ssyncadd.s32 $0xFFFFFFFF  }
0xbf: {  	_ =	strace $0x90000048  }
0xc0: {  	_ =	sfence  }
0xc1: {  	s30 =	sld [smem:$0x0];
	_ =	sdelay $0x2  }
0xc2: {  	s31 =	sshll.u32 s1, $0xD;
	s1 =	sshrl.u32 s1, $0x2  }
0xc3: {  	s3 =	sand.u32 $0x4000, s31;
	s1 =	sadd.s32 s1, s30  }
0xc4: {  	s0 =	sor.u32 s3, s0;
	s1 =	sshll.u32 s1, $0x11  }
0xc5: {  	s0 =	sor.u32 s1, s0  }
0xc6: {  	s0 =	sadd.s32 $0x8F2B, s0  }
0xc7: {  	[sflag:s0] =	ssyncadd.remote.s32 $0x1  }
0xc8: {  	_ =	sfence.sel $0xFFFF  }
0xc9: {  	[dreg:$0x0] =	wrdreg $0xFFFFFFFF;
	(pc) =	sbr.abs _section_cstart, $3  }
0xca: {  	[dreg:$0x1] =	wrdreg $0xFFFFFFFF  }
0xcb: {  	_ =	task.clear_ibuf [dreg:s12], $0x2FFFF;
	_ =	strace $0x9FFFFFFF  }
0xcc: {  	(tm) =	ssettm $0x7FFFFFFF  }
0xcd: {  	_ =	shalt  }
tec
execute0_lowered:
.L_overlay_start_1:
0x0: {  	(tag) =	ssettag $0x1  }
0x1: {  	v0 =	vlaneseq.u32  }
0x2: {  	s0 =	rddreg [dreg:$0x0];
	v12 =	vmul.u32 $0x80, v0  }
0x3: {  	s1 =	rddreg [dreg:$0x6];
	s7 =	simm.s32 $0x0  }
0x4: {  	s2 =	srdreg.scid;
	[smem:$0x7FF] =	sst s7;
	v14 =	vor.u32 $0x2, v12  }
0x5: {  	s3 =	stileid.u32;
	s12 =	simm.s32 $0x4100;
	_ =	strace $0x80000047;
	v33 =	vor.u32 $0x5, v12;
	[tilespmem:$0x1FF40] =	vst v14  }
0x6: {  	s13 =	simm.s32 $0xC;
	s15 =	simm.s32 $0xA;
	s16 =	simm.s32 $0xB;
	v30 =	vor.u32 $0x6, v12;
	[tilespmem:$0x1FF50] =	vst v33  }
0x7: {  	s17 =	simm.s32 $0x10;
	s19 =	simm.s32 $0x880;
	s20 =	simm.s32 $0x20;
	v31 =	vor.u32 $0x7, v12;
	[tilespmem:$0x1FF60] =	vst v30  }
0x8: {  	s21 =	simm.s32 $0x1080;
	s22 =	simm.s32 $0x30;
	s23 =	simm.s32 $0x1880;
	v26 =	vor.u32 $0x8, v12;
	[tilespmem:$0x1FF70] =	vst v31  }
0x9: {  	s24 =	simm.s32 $0x40;
	s25 =	simm.s32 $0x2080;
	s28 =	simm.s32 $0x2880;
	v27 =	vor.u32 $0x9, v12;
	[tilespmem:$0x1FF80] =	vst v26  }
0xa: {  	s29 =	simm.s32 $0x60;
	s30 =	simm.s32 $0x3080;
	s2 =	sand.u32 $0x1, s2;
	v8 =	vor.u32 $0xA, v12;
	[tilespmem:$0x1FF90] =	vst v27  }
0xb: {  	s31 =	simm.s32 $0x70;
	s3 =	sshll.u32 s3, $0x5;
	s4 =	sshll.u32 s2, $0x4;
	v4 =	vor.u32 $0xB, v12;
	[tilespmem:$0x1FFA0] =	vst v8  }
0xc: {  	s5 =	simm.s32 $0x9;
	s2 =	ssub.s32 $0x2, s2;
	s3 =	sor.u32 s4, s3;
	v6 =	vor.u32 $0xC, v12;
	[tilespmem:$0x1FFB0] =	vst v4  }
0xd: {  	s6 =	simm.s32 $0x0;
	s26 =	sshrl.u32 s2, $0x1;
	v5 =	vor.u32 $0xD, v12;
	s1 =	sadd.s32 s3, s1;
	[tilespmem:$0x1FFC0] =	vst v6  }
0xe: {  	v7 =	vor.u32 $0xE, v12;
	s2 =	ssub.s32 s2, s26;
	s8 =	sadd.s32 s0, s3;
	s26 =	simm.s32 $0x50;
	[tilespmem:$0x1FFD0] =	vst v5  }
0xf: {  	v9 =	vor.u32 $0xF, v12;
	s0 =	simm.s32 $0x4200;
	s3 =	simm.s32 $0xD;
	[tilespmem:$0x1FFE0] =	vst v7;
	s9 =	sadd.s32 $0x600, s1  }
0x10: {  	v13 =	vor.u32 $0x1, v12;
	v15 =	vor.u32 $0x3, v12;
	v32 =	vor.u32 $0x4, v12;
	[tilespmem:$0x1FFF0] =	vst v9;
	s10 =	smax.u32 s2, $0x1;
	s1 =	simm.s32 $0x3880;
	s2 =	simm.s32 $0x4A00  }
.LBB2_1:
0x11: {  	[tilespmem:s7], [sflag:$0xA] =	stream.linear.gather [hbm4b:s8+s7], $0x80, $0x38;
	[tilespmem:$0x4A80] =	vst v63  }
0x12: {  	s4 =	rddreg [dreg:$0x1];
	s11 =	simm.s32 $0x4080  }
0x13: {  	[tilespmem:s11], [sflag:$0xB] =	stream.linear.gather [hbm4b:s4+s7], $0x1, $0x38;
	[tilespmem:$0x4A80] =	vst v63  }
0x14: {  	s14 =	rddreg [dreg:$0x2]  }
0x15: {  	[tilespmem:s12], [sflag:$0xC] =	stream.linear.gather [hbm4b:s14+s7], $0x80, $0x38;
	[tilespmem:$0x4A80] =	vst v63  }
0x16: {  	_ =	swait.ge [sflag:s13], $0x80  }
0x17: {  	[sflag:s13] =	ssyncset.done $0x0  }
0x18: {  	[sflag:s13] =	ssyncadd.s32 $0xFFFFFF80  }
0x19: {  	s4 =	simm.s32 $0x1;
	s14 =	simm.s32 $0x4180;
	s18 =	rddreg [dreg:$0x5]  }
0x1a: {  	[tilespmem:s14], [sflag:$0x9] =	stream.indirect.gather [hbm4b:s18+s4], $0x80, s12, s4, $0xb8;
	[tilespmem:$0x4A80] =	vst v63  }
0x1b: {  	_ =	swait.ge [sflag:s15], $0x80  }
0x1c: {  	[sflag:s15] =	ssyncset.done $0x0  }
0x1d: {  	[sflag:s15] =	ssyncadd.s32 $0xFFFFFF80  }
0x1e: {  	_ =	swait.ge [sflag:s16], $0x1  }
0x1f: {  	[sflag:s16] =	ssyncset.done $0x0  }
0x20: {  	[sflag:s16] =	ssyncadd.s32 $0xFFFFFFFF  }
0x21: {  	v16 =	vld [tilespmem:$0x4080];
	_ =	sdelay $0x4  }
0x22: {  	(v2sf) =	vpush v16, $0x0;
	_ =	sdelay $0xe  }
0x23: {  	s11 =	rddreg [dreg:$0x4];
	s14 =	spop (v2sf)  }
0x24: {  	p0 =	sgt.s32 s14, $0x0;
	s14 =	rddreg [dreg:$0x3]  }
0x25: {  	s18 =	simm.s32 $0x80;
	s11 =	smov.u32 @p0 s14  }
0x26: {  	[tilespmem:s18], [sflag:$0x1] =	stream.indirect.gather [hbm4b:s11+s17], $0x80, s7, s17, $0xb8;
	[tilespmem:$0x4A80] =	vst v63  }
0x27: {  	_ = 	snop  }
0x28: {  	[tilespmem:s19], [sflag:$0x2] =	stream.indirect.gather [hbm4b:s11+s17], $0x80, s17, s17, $0xb8;
	[tilespmem:$0x4A80] =	vst v63  }
0x29: {  	_ = 	snop  }
0x2a: {  	[tilespmem:s21], [sflag:$0x3] =	stream.indirect.gather [hbm4b:s11+s17], $0x80, s20, s17, $0xb8;
	[tilespmem:$0x4A80] =	vst v63  }
0x2b: {  	_ = 	snop  }
0x2c: {  	[tilespmem:s23], [sflag:$0x4] =	stream.indirect.gather [hbm4b:s11+s17], $0x80, s22, s17, $0xb8;
	[tilespmem:$0x4A80] =	vst v63  }
0x2d: {  	_ = 	snop  }
0x2e: {  	[tilespmem:s25], [sflag:$0x5] =	stream.indirect.gather [hbm4b:s11+s17], $0x80, s24, s17, $0xb8;
	[tilespmem:$0x4A80] =	vst v63  }
0x2f: {  	_ = 	snop  }
0x30: {  	[tilespmem:s28], [sflag:$0x6] =	stream.indirect.gather [hbm4b:s11+s17], $0x80, s26, s17, $0xb8;
	[tilespmem:$0x4A80] =	vst v63  }
0x31: {  	_ = 	snop  }
0x32: {  	[tilespmem:s30], [sflag:$0x7] =	stream.indirect.gather [hbm4b:s11+s17], $0x80, s29, s17, $0xb8;
	[tilespmem:$0x4A80] =	vst v63  }
0x33: {  	_ = 	snop  }
0x34: {  	[tilespmem:s1], [sflag:$0x8] =	stream.indirect.gather [hbm4b:s11+s17], $0x80, s31, s17, $0xb8;
	[tilespmem:$0x4A80] =	vst v63  }
0x35: {  	_ =	swait.ge [sflag:s5], $0x80  }
0x36: {  	[sflag:s5] =	ssyncset.done $0x0  }
0x37: {  	[sflag:s5] =	ssyncadd.s32 $0xFFFFFF80  }
0x38: {  	v16 =	vld [tilespmem:$0x4180]  }
0x39: {  	v17 =	vld [tilespmem:$0x4190]  }
0x3a: {  	v18 =	vld [tilespmem:$0x41A0]  }
0x3b: {  	v19 =	vld [tilespmem:$0x41B0]  }
0x3c: {  	v20 =	vld [tilespmem:$0x41C0]  }
0x3d: {  	v21 =	vld [tilespmem:$0x41D0]  }
0x3e: {  	v22 =	vld [tilespmem:$0x41E0]  }
0x3f: {  	s14 =	simm.s32 $0x0;
	s11 =	simm.s32 $0x480;
	v23 =	vld [tilespmem:$0x41F0]  }
.LBB2_2:
0x40: {  	_ =	swait.ge [sflag:s4], $0x800  }
0x41: {  	[sflag:s4] =	ssyncset.done $0x0  }
0x42: {  	[sflag:s4] =	ssyncadd.s32 $0xFFFFF800  }
0x43: {  	v24 =	vld [tilespmem:s11+$0xFFFFFC00]  }
0x44: {  	v25 =	vld [tilespmem:s11+$0xFFFFFC10]  }
0x45: {  	v26 =	vld [tilespmem:s11+$0xFFFFFC20]  }
0x46: {  	v27 =	vld [tilespmem:s11+$0xFFFFFC30]  }
0x47: {  	v28 =	vld [tilespmem:s11+$0xFFFFFC40]  }
0x48: {  	v29 =	vld [tilespmem:s11+$0xFFFFFC50]  }
0x49: {  	v30 =	vld [tilespmem:s11+$0xFFFFFC60]  }
0x4a: {  	v31 =	vld [tilespmem:s11+$0xFFFFFC70]  }
0x4b: {  	v14 =	vmov v32;
	v32 =	vld [tilespmem:s11+$0xFFFFFC80]  }
0x4c: {  	v33 =	vld [tilespmem:s11+$0xFFFFFC90]  }
0x4d: {  	v34 =	vld [tilespmem:s11+$0xFFFFFCA0]  }
0x4e: {  	v35 =	vld [tilespmem:s11+$0xFFFFFCB0]  }
0x4f: {  	v36 =	vld [tilespmem:s11+$0xFFFFFCC0]  }
0x50: {  	v37 =	vld [tilespmem:s11+$0xFFFFFCD0]  }
0x51: {  	v38 =	vld [tilespmem:s11+$0xFFFFFCE0]  }
0x52: {  	v39 =	vld [tilespmem:s11+$0xFFFFFCF0]  }
0x53: {  	v40 =	vld [tilespmem:s11+$0xFFFFFD00]  }
0x54: {  	v41 =	vld [tilespmem:s11+$0xFFFFFD10]  }
0x55: {  	v42 =	vld [tilespmem:s11+$0xFFFFFD20]  }
0x56: {  	v43 =	vld [tilespmem:s11+$0xFFFFFD30]  }
0x57: {  	v44 =	vld [tilespmem:s11+$0xFFFFFD40]  }
0x58: {  	v45 =	vld [tilespmem:s11+$0xFFFFFD50]  }
0x59: {  	v46 =	vld [tilespmem:s11+$0xFFFFFD60]  }
0x5a: {  	v47 =	vld [tilespmem:s11+$0xFFFFFD70]  }
0x5b: {  	v48 =	vld [tilespmem:s11+$0xFFFFFD80]  }
0x5c: {  	v49 =	vld [tilespmem:s11+$0xFFFFFD90]  }
0x5d: {  	v50 =	vld [tilespmem:s11+$0xFFFFFDA0]  }
0x5e: {  	v51 =	vld [tilespmem:s11+$0xFFFFFDB0]  }
0x5f: {  	v52 =	vld [tilespmem:s11+$0xFFFFFDC0]  }
0x60: {  	v53 =	vld [tilespmem:s11+$0xFFFFFDD0]  }
0x61: {  	v54 =	vld [tilespmem:s11+$0xFFFFFDE0]  }
0x62: {  	v55 =	vld [tilespmem:s11+$0xFFFFFDF0]  }
0x63: {  	v56 =	vld [tilespmem:s11+$0xFFFFFE00]  }
0x64: {  	v57 =	vld [tilespmem:s11+$0xFFFFFE10]  }
0x65: {  	v58 =	vld [tilespmem:s11+$0xFFFFFE20]  }
0x66: {  	v59 =	vld [tilespmem:s11+$0xFFFFFE30]  }
0x67: {  	v60 =	vld [tilespmem:s11+$0xFFFFFE40]  }
0x68: {  	v61 =	vld [tilespmem:s11+$0xFFFFFE50]  }
0x69: {  	v62 =	vld [tilespmem:s11+$0xFFFFFE60]  }
0x6a: {  	v63 =	vld [tilespmem:s11+$0xFFFFFE70]  }
0x6b: {  	v1 =	vld [tilespmem:s11+$0xFFFFFE80]  }
0x6c: {  	v0 =	vld [tilespmem:s11+$0xFFFFFE90]  }
0x6d: {  	v2 =	vld [tilespmem:s11+$0xFFFFFEA0]  }
0x6e: {  	v3 =	vld [tilespmem:s11+$0xFFFFFEB0]  }
0x6f: {  	v4 =	vld [tilespmem:s11+$0xFFFFFEC0]  }
0x70: {  	v5 =	vld [tilespmem:s11+$0xFFFFFED0]  }
0x71: {  	v6 =	vld [tilespmem:s11+$0xFFFFFEE0]  }
0x72: {  	v7 =	vld [tilespmem:s11+$0xFFFFFEF0];
	v24 =	vmul.f32 v24, v16;
	v25 =	vmul.f32 v25, v17  }
0x73: {  	v8 =	vld [tilespmem:s11+$0xFFFFFF00];
	v26 =	vmul.f32 v26, v18;
	v27 =	vmul.f32 v27, v19  }
0x74: {  	v9 =	vld [tilespmem:s11+$0xFFFFFF10];
	v28 =	vmul.f32 v28, v20;
	v29 =	vmul.f32 v29, v21  }
0x75: {  	v10 =	vld [tilespmem:s11+$0xFFFFFF20];
	v30 =	vmul.f32 v30, v22;
	v31 =	vmul.f32 v31, v23  }
0x76: {  	v11 =	vld [tilespmem:s11+$0xFFFFFF30];
	v1 =	vmul.f32 v1, v16;
	v0 =	vmul.f32 v0, v17  }
0x77: {  	v24 =	vadd.f32 v25, v24;
	v25 =	vmul.f32 v32, v16;
	v32 =	vmul.f32 v33, v17;
	v33 =	vld [tilespmem:s11+$0xFFFFFF40]  }
0x78: {  	v26 =	vadd.f32 v27, v26;
	v27 =	vmul.f32 v34, v18;
	v34 =	vmul.f32 v35, v19;
	v35 =	vld [tilespmem:s11+$0xFFFFFF50]  }
0x79: {  	v28 =	vadd.f32 v29, v28;
	v29 =	vmul.f32 v36, v20;
	v36 =	vmul.f32 v37, v21;
	v37 =	vld [tilespmem:s11+$0xFFFFFF60]  }
0x7a: {  	v30 =	vadd.f32 v31, v30;
	v31 =	vmul.f32 v38, v22;
	v38 =	vmul.f32 v39, v23;
	v39 =	vld [tilespmem:s11+$0xFFFFFF70]  }
0x7b: {  	v0 =	vadd.f32 v0, v1;
	v1 =	vld [tilespmem:s11+$0x150]  }
0x7c: {  	v25 =	vadd.f32 v32, v25;
	v32 =	vld [tilespmem:s11+$0xFFFFFF80]  }
0x7d: {  	v27 =	vadd.f32 v34, v27;
	v34 =	vld [tilespmem:s11+$0xFFFFFF90]  }
0x7e: {  	v31 =	vadd.f32 v38, v31;
	v38 =	vadd.f32 v30, v28;
	v30 =	vld [tilespmem:s11+$0xFFFFFFA0]  }
0x7f: {  	v29 =	vadd.f32 v36, v29;
	v36 =	vld [tilespmem:s11+$0xFFFFFFC0]  }
0x80: {  	v24 =	vadd.f32 v26, v24;
	v26 =	vmul.f32 v40, v16;
	v40 =	vmul.f32 v44, v20;
	v44 =	vld [tilespmem:s11+$0xFFFFFFF0]  }
0x81: {  	v28 =	vmul.f32 v41, v17;
	v41 =	vmul.f32 v45, v21;
	v45 =	vld [tilespmem:s11+$0x0]  }
0x82: {  	v25 =	vadd.f32 v27, v25;
	v27 =	vadd.f32 v31, v29;
	v31 =	vld [tilespmem:s11+$0xFFFFFFB0]  }
0x83: {  	v24 =	vadd.f32 v38, v24;
	v29 =	vmul.f32 v43, v19;
	v38 =	vld [tilespmem:s11+$0xFFFFFFD0]  }
0x84: {  	v26 =	vadd.f32 v28, v26;
	v28 =	vmul.f32 v46, v22;
	v43 =	vmul.f32 v47, v23;
	v47 =	vld [tilespmem:s11+$0x10]  }
0x85: {  	v46 =	vmul.f32 v51, v19;
	v51 =	vld [tilespmem:s11+$0x30];
	v25 =	vadd.f32 v27, v25;
	v27 =	vmul.f32 v42, v18  }
0x86: {  	v42 =	vld [tilespmem:s11+$0xFFFFFFE0];
	v28 =	vadd.f32 v43, v28  }
0x87: {  	v43 =	vmul.f32 v50, v18;
	v50 =	vld [tilespmem:s11+$0x60];
	v27 =	vadd.f32 v29, v27;
	v29 =	vadd.f32 v41, v40  }
0x88: {  	v41 =	vmul.f32 v49, v17;
	v49 =	vld [tilespmem:s11+$0x20]  }
0x89: {  	v40 =	vmul.f32 v48, v16;
	v48 =	vmul.f32 v53, v21;
	v53 =	vld [tilespmem:s11+$0x70];
	v28 =	vadd.f32 v28, v29  }
0x8a: {  	v29 =	vmul.f32 v54, v22;
	v54 =	vmul.f32 v55, v23;
	v55 =	vadd.f32 v46, v43;
	v43 =	vld [tilespmem:s11+$0x40]  }
0x8b: {  	v40 =	vadd.f32 v41, v40;
	v46 =	vld [tilespmem:s11+$0x50]  }
0x8c: {  	v26 =	vadd.f32 v27, v26;
	v27 =	vmul.f32 v52, v20;
	v41 =	vmul.f32 v56, v16;
	v56 =	vld [tilespmem:s11+$0xD0]  }
0x8d: {  	v61 =	vmul.f32 v61, v21;
	v6 =	vmul.f32 v6, v22;
	v40 =	vadd.f32 v55, v40;
	v55 =	vld [tilespmem:s11+$0x80]  }
0x8e: {  	v7 =	vmul.f32 v7, v23;
	v27 =	vadd.f32 v48, v27;
	v48 =	vmul.f32 v57, v17;
	v57 =	vld [tilespmem:s11+$0x90]  }
0x8f: {  	v62 =	vmul.f32 v62, v22;
	v29 =	vadd.f32 v54, v29;
	v26 =	vadd.f32 v28, v26;
	v54 =	vld [tilespmem:s11+$0xC0]  }
0x90: {  	v28 =	vmul.f32 v60, v20;
	v60 =	vmul.f32 v63, v23;
	v63 =	vadd.f32 v7, v6;
	v7 =	vld [tilespmem:s11+$0x120]  }
0x91: {  	v2 =	vmul.f32 v2, v18;
	v3 =	vmul.f32 v3, v19;
	v6 =	vld [tilespmem:s11+$0x140]  }
0x92: {  	v52 =	vmul.f32 v59, v19;
	v27 =	vadd.f32 v29, v27;
	v41 =	vadd.f32 v48, v41;
	v48 =	vld [tilespmem:s11+$0xA0]  }
0x93: {  	v29 =	vmul.f32 v58, v18;
	v28 =	vadd.f32 v61, v28;
	v61 =	vadd.f32 v3, v2;
	v2 =	vld [tilespmem:s11+$0xE0]  }
0x94: {  	v4 =	vmul.f32 v4, v20;
	v5 =	vmul.f32 v5, v21;
	v3 =	vld [tilespmem:s11+$0x110];
	v27 =	vadd.f32 v27, v40  }
0x95: {  	v29 =	vadd.f32 v52, v29;
	v52 =	vld [tilespmem:s11+$0xB0];
	v40 =	vadd.f32 v60, v62  }
0x96: {  	v30 =	vmul.f32 v30, v18;
	v62 =	vadd.f32 v5, v4;
	v5 =	vld [tilespmem:s11+$0xF0];
	v0 =	vadd.f32 v61, v0  }
0x97: {  	v60 =	vmul.f32 v8, v16;
	v61 =	vmul.f32 v9, v17;
	v8 =	vld [tilespmem:s11+$0x130];
	v29 =	vadd.f32 v29, v41  }
0x98: {  	v58 =	vadd.f32 v40, v28;
	v40 =	vld [tilespmem:s11+$0x100];
	v59 =	vadd.f32 v63, v62;
	v62 =	vmul.f32 v10, v18  }
0x99: {  	v63 =	vmul.f32 v11, v19;
	v41 =	vmul.f32 v33, v20;
	v33 =	vld [tilespmem:s11+$0x170]  }
0x9a: {  	v4 =	vadd.f32 v61, v60;
	v61 =	vmul.f32 v32, v16;
	v32 =	vld [tilespmem:s11+$0x1A0];
	v28 =	vadd.f32 v58, v29  }
0x9b: {  	v29 =	vadd.f32 v59, v0;
	v0 =	vadd.f32 v63, v62;
	v62 =	vmul.f32 v34, v17;
	v34 =	vld [tilespmem:s11+$0x160]  }
0x9c: {  	v58 =	vmul.f32 v35, v21;
	v63 =	vmul.f32 v36, v20;
	v36 =	vld [tilespmem:s11+$0x180]  }
0x9d: {  	v31 =	vmul.f32 v31, v19;
	v7 =	vmul.f32 v7, v18;
	v35 =	vld [tilespmem:s11+$0x1B0]  }
0x9e: {  	v60 =	vmul.f32 v39, v23;
	v9 =	vadd.f32 v58, v41;
	v41 =	vmul.f32 v38, v21;
	v38 =	vld [tilespmem:s11+$0x190]  }
0x9f: {  	v59 =	vmul.f32 v37, v22;
	v10 =	vadd.f32 v62, v61;
	v62 =	vmul.f32 v43, v20;
	v43 =	vld [tilespmem:s11+$0x1E0]  }
0xa0: {  	v2 =	vmul.f32 v2, v22;
	v58 =	vmul.f32 v45, v16;
	v45 =	vld [tilespmem:s11+$0x1F0]  }
0xa1: {  	v5 =	vmul.f32 v5, v23;
	v11 =	vadd.f32 v60, v59;
	v59 =	vmul.f32 v47, v17;
	v47 =	vld [tilespmem:s11+$0x200]  }
0xa2: {  	v8 =	vmul.f32 v8, v19;
	v60 =	vmul.f32 v49, v18;
	v49 =	vld [tilespmem:s11+$0x210]  }
0xa3: {  	v44 =	vmul.f32 v44, v23;
	v2 =	vadd.f32 v5, v2;
	v5 =	vld [tilespmem:s11+$0x250]  }
0xa4: {  	v42 =	vmul.f32 v42, v22;
	v30 =	vadd.f32 v31, v30;
	v7 =	vadd.f32 v8, v7;
	v8 =	vld [tilespmem:s11+$0x2B0]  }
0xa5: {  	v0 =	vadd.f32 v0, v4;
	v61 =	vmul.f32 v51, v19;
	v4 =	vadd.f32 v41, v63;
	v41 =	vld [tilespmem:s11+$0x1C0]  }
0xa6: {  	v33 =	vmul.f32 v33, v23;
	v9 =	vadd.f32 v11, v9;
	v11 =	vadd.f32 v44, v42;
	v44 =	vld [tilespmem:s11+$0x1D0]  }
0xa7: {  	v63 =	vmul.f32 v46, v21;
	v37 =	vadd.f32 v59, v58;
	v58 =	vmul.f32 v55, v16;
	v46 =	vld [tilespmem:s11+$0x240]  }
0xa8: {  	v10 =	vadd.f32 v30, v10;
	v59 =	vmul.f32 v57, v17;
	v57 =	vmul.f32 v36, v16;
	v36 =	vld [tilespmem:s11+$0x310]  }
0xa9: {  	v30 =	vadd.f32 v9, v0;
	v0 =	vadd.f32 v63, v62;
	v62 =	vmul.f32 v54, v20;
	v54 =	vld [tilespmem:s11+$0x220]  }
0xaa: {  	v34 =	vmul.f32 v34, v22;
	v39 =	vadd.f32 v59, v58;
	v59 =	vmul.f32 v35, v19;
	v35 =	vld [tilespmem:s11+$0x2D0]  }
0xab: {  	v4 =	vadd.f32 v11, v4;
	v58 =	vmul.f32 v38, v17;
	v38 =	vld [tilespmem:s11+$0x2C0]  }
0xac: {  	v11 =	vadd.f32 v61, v60;
	v60 =	vmul.f32 v48, v18;
	v33 =	vadd.f32 v33, v34;
	v34 =	vld [tilespmem:s11+$0x300]  }
0xad: {  	v61 =	vmul.f32 v52, v19;
	v48 =	vmul.f32 v45, v23;
	v45 =	vld [tilespmem:s11+$0x340]  }
0xae: {  	v63 =	vmul.f32 v56, v21;
	v52 =	vmul.f32 v47, v16;
	v47 =	vld [tilespmem:s11+$0x3A0]  }
0xaf: {  	v11 =	vadd.f32 v11, v37;
	v37 =	vld [tilespmem:s11+$0x290]  }
0xb0: {  	v1 =	vmul.f32 v1, v21;
	v32 =	vmul.f32 v32, v18;
	v9 =	vadd.f32 v63, v62;
	v62 =	vld [tilespmem:s11+$0x2E0]  }
0xb1: {  	v6 =	vmul.f32 v6, v20;
	v31 =	vadd.f32 v4, v10;
	v4 =	vmul.f32 v50, v22;
	v50 =	vld [tilespmem:s11+$0x2F0]  }
0xb2: {  	v3 =	vmul.f32 v3, v17;
	v56 =	vmul.f32 v40, v16;
	v32 =	vadd.f32 v59, v32;
	v59 =	vld [tilespmem:s11+$0x370]  }
0xb3: {  	v10 =	vmul.f32 v53, v23;
	v53 =	vmul.f32 v49, v17;
	v49 =	vld [tilespmem:s11+$0x3C0]  }
0xb4: {  	v1 =	vadd.f32 v1, v6;
	v6 =	vadd.f32 v58, v57;
	v58 =	vld [tilespmem:s11+$0x360]  }
0xb5: {  	v3 =	vadd.f32 v3, v56;
	v56 =	vmul.f32 v46, v20;
	v46 =	vld [tilespmem:s11+$0x390]  }
0xb6: {  	v42 =	vadd.f32 v61, v60;
	v4 =	vadd.f32 v10, v4;
	v10 =	vld [tilespmem:s11+$0x230]  }
0xb7: {  	v63 =	vmul.f32 v43, v22;
	v2 =	vadd.f32 v2, v9;
	v9 =	vld [tilespmem:s11+$0x270]  }
0xb8: {  	v60 =	vmul.f32 v41, v20;
	v61 =	vmul.f32 v44, v21;
	v55 =	vadd.f32 v42, v39;
	v39 =	vld [tilespmem:s11+$0x280]  }
0xb9: {  	v5 =	vmul.f32 v5, v21;
	v1 =	vadd.f32 v33, v1;
	v3 =	vadd.f32 v7, v3;
	v42 =	vld [tilespmem:s11+$0x320]  }
0xba: {  	v8 =	vmul.f32 v8, v19;
	v33 =	vadd.f32 v48, v63;
	v48 =	vld [tilespmem:s11+$0x3B0];
	v7 =	vadd.f32 v61, v60  }
0xbb: {  	v6 =	vadd.f32 v32, v6;
	v54 =	vmul.f32 v54, v18;
	v32 =	vadd.f32 v53, v52;
	v61 =	vld [tilespmem:s11+$0x380]  }
0xbc: {  	v35 =	vmul.f32 v35, v21;
	v52 =	vmul.f32 v36, v17;
	v53 =	vld [tilespmem:s11+$0x3E0];
	v0 =	vadd.f32 v4, v0  }
0xbd: {  	v4 =	vld [tilespmem:s11+$0x260];
	v2 =	vadd.f32 v2, v55;
	v1 =	vadd.f32 v1, v3;
	v10 =	vmul.f32 v10, v19  }
0xbe: {  	v55 =	vld [tilespmem:s11+$0x330];
	v3 =	vadd.f32 v5, v56;
	v60 =	vmul.f32 v38, v20;
	v51 =	vmul.f32 v34, v16  }
0xbf: {  	v56 =	vld [tilespmem:s11+$0x3F0];
	v7 =	vadd.f32 v33, v7;
	v37 =	vmul.f32 v37, v17;
	v10 =	vadd.f32 v10, v54  }
0xc0: {  	v62 =	vmul.f32 v62, v22;
	v63 =	vmul.f32 v50, v23;
	v50 =	vld [tilespmem:s11+$0x3D0];
	v0 =	vadd.f32 v0, v11  }
0xc1: {  	v33 =	vmul.f32 v59, v23;
	v5 =	vadd.f32 v35, v60;
	v10 =	vadd.f32 v10, v32;
	v32 =	vmovc v14;
	v14 =	vld [tilespmem:$0x1FF40]  }
0xc2: {  	v11 =	vld [tilespmem:s11+$0x2A0];
	v58 =	vmul.f32 v58, v22;
	v6 =	vadd.f32 v7, v6;
	v57 =	vmul.f32 v9, v23  }
0xc3: {  	v9 =	vld [tilespmem:s11+$0x350];
	v39 =	vmul.f32 v39, v16;
	v7 =	vadd.f32 v63, v62;
	[tilespmem:v12+s0+$0x0] =	vst.idx.msk $0xffff, v24  }
0xc4: {  	v60 =	vld [tilespmem:$0x1FF50];
	v62 =	vmul.f32 v46, v17;
	v63 =	vmul.f32 v48, v19;
	[tilespmem:v13+s0+$0x0] =	vst.idx.msk $0xffff, v25  }
0xc5: {  	v35 =	vld [tilespmem:$0x1FF60];
	v59 =	vadd.f32 v33, v58;
	v61 =	vmul.f32 v61, v16;
	v36 =	vmul.f32 v53, v22  }
0xc6: {  	v38 =	vld [tilespmem:$0x1FF70];
	v4 =	vmul.f32 v4, v22;
	v37 =	vadd.f32 v37, v39;
	v54 =	vmul.f32 v42, v18  }
0xc7: {  	v5 =	vadd.f32 v7, v5;
	v55 =	vmul.f32 v55, v19;
	v39 =	vld [tilespmem:$0x1FF80];
	v7 =	vmul.f32 v50, v21  }
0xc8: {  	v40 =	vld [tilespmem:$0x1FF90];
	v25 =	vadd.f32 v62, v61;
	v11 =	vmul.f32 v11, v18;
	v4 =	vadd.f32 v57, v4  }
0xc9: {  	v44 =	vld [tilespmem:$0x1FFA0];
	v57 =	vmul.f32 v45, v20;
	v9 =	vmul.f32 v9, v21;
	[tilespmem:v14+s0+$0x0] =	vst.idx.msk $0xffff, v26  }
0xca: {  	v48 =	vld [tilespmem:$0x1FFB0];
	v8 =	vadd.f32 v8, v11;
	v3 =	vadd.f32 v4, v3;
	[tilespmem:v15+s0+$0x0] =	vst.idx.msk $0xffff, v27  }
0xcb: {  	v11 =	vmul.f32 v47, v18;
	v4 =	vmul.f32 v49, v20;
	v49 =	vld [tilespmem:$0x1FFC0];
	[tilespmem:v32+s0+$0x0] =	vst.idx.msk $0xffff, v28  }
0xcc: {  	v3 =	vadd.f32 v3, v10;
	v10 =	vadd.f32 v52, v51;
	v51 =	vld [tilespmem:$0x1FFD0];
	[tilespmem:v60+s0+$0x0] =	vst.idx.msk $0xffff, v29  }
0xcd: {  	v50 =	vld [tilespmem:$0x1FFE0];
	v9 =	vadd.f32 v9, v57;
	v8 =	vadd.f32 v8, v37;
	[tilespmem:v35+s0+$0x0] =	vst.idx.msk $0xffff, v30  }
0xce: {  	v46 =	vld [tilespmem:$0x1FFF0];
	v37 =	vmul.f32 v56, v23;
	v11 =	vadd.f32 v63, v11;
	[tilespmem:v38+s0+$0x0] =	vst.idx.msk $0xffff, v31  }
0xcf: {  	v5 =	vadd.f32 v5, v8;
	v8 =	vadd.f32 v55, v54;
	[tilespmem:v39+s0+$0x0] =	vst.idx.msk $0xffff, v0  }
0xd0: {  	v41 =	vadd.f32 v7, v4;
	v42 =	vadd.f32 v37, v36;
	[tilespmem:v40+s0+$0x0] =	vst.idx.msk $0xffff, v2  }
0xd1: {  	v45 =	vadd.f32 v59, v9;
	v43 =	vadd.f32 v8, v10;
	[tilespmem:v44+s0+$0x0] =	vst.idx.msk $0xffff, v1  }
0xd2: {  	v47 =	vadd.f32 v11, v25;
	v0 =	vadd.f32 v42, v41;
	[tilespmem:v48+s0+$0x0] =	vst.idx.msk $0xffff, v6  }
0xd3: {  	v2 =	vadd.f32 v45, v43;
	[tilespmem:v49+s0+$0x0] =	vst.idx.msk $0xffff, v3  }
0xd4: {  	v0 =	vadd.f32 v0, v47;
	[tilespmem:v51+s0+$0x0] =	vst.idx.msk $0xffff, v5  }
0xd5: {  	[tilespmem:v50+s0+$0x0] =	vst.idx.msk $0xffff, v2  }
0xd6: {  	[tilespmem:v46+s0+$0x0] =	vst.idx.msk $0xffff, v0  }
0xd7: {  	v0 =	vld [tilespmem:$0x4200]  }
0xd8: {  	v1 =	vld [tilespmem:$0x4280];
	_ =	sdelay $0x1  }
0xd9: {  	v2 =	vld [tilespmem:$0x4300];
	_ =	sdelay $0x1  }
0xda: {  	v3 =	vld [tilespmem:$0x4380]  }
0xdb: {  	v0 =	vadd.f32 v1, v0  }
0xdc: {  	v52 =	vld [tilespmem:$0x4400]  }
0xdd: {  	v0 =	vadd.f32 v2, v0  }
0xde: {  	v53 =	vld [tilespmem:$0x4480]  }
0xdf: {  	v0 =	vadd.f32 v3, v0  }
0xe0: {  	v54 =	vld [tilespmem:$0x4500]  }
0xe1: {  	v0 =	vadd.f32 v52, v0  }
0xe2: {  	v55 =	vld [tilespmem:$0x4580]  }
0xe3: {  	v0 =	vadd.f32 v53, v0  }
0xe4: {  	v56 =	vld [tilespmem:$0x4600]  }
0xe5: {  	v0 =	vadd.f32 v54, v0  }
0xe6: {  	v57 =	vld [tilespmem:$0x4680]  }
0xe7: {  	v0 =	vadd.f32 v55, v0  }
0xe8: {  	v58 =	vld [tilespmem:$0x4700]  }
0xe9: {  	v0 =	vadd.f32 v56, v0  }
0xea: {  	v59 =	vld [tilespmem:$0x4780]  }
0xeb: {  	v0 =	vadd.f32 v57, v0  }
0xec: {  	v60 =	vld [tilespmem:$0x4800]  }
0xed: {  	v0 =	vadd.f32 v58, v0  }
0xee: {  	v61 =	vld [tilespmem:$0x4880]  }
0xef: {  	v0 =	vadd.f32 v59, v0  }
0xf0: {  	v62 =	vld [tilespmem:$0x4900]  }
0xf1: {  	v0 =	vadd.f32 v60, v0  }
0xf2: {  	v63 =	vld [tilespmem:$0x4980]  }
0xf3: {  	v0 =	vadd.f32 v61, v0  }
0xf4: {  	p0 =	sne.s32 s14, $0x1C0  }
.Ltmp0:
0xf5: {  	v0 =	vadd.f32 v62, v0;
	(pc) =	sbr.rel @p0 .LBB2_2-.Ltmp0, $4  }
0xf6: {  	_ = 	snop  }
0xf7: {  	v0 =	vadd.f32 v63, v0  }
0xf8: {  	s18 =	sshra.s32 s14, $0x2  }
0xf9: {  	s14 =	sadd.s32 $0x40, s14;
	s4 =	sadd.s32 $0x1, s4;
	s11 =	sadd.s32 $0x800, s11;
	[tilespmem:s18+$0x4A00] =	vst v0  }
0xfa: {  	s6 =	sadd.s32 $0x1, s6  }
0xfb: {  	p0 =	sne.s32 s6, s10  }
.Ltmp1:
0xfc: {  	_ = 	snop;
	(pc) =	sbr.rel @p0 .LBB2_1-.Ltmp1, $4  }
0xfd: {  	[hbm4b:s9+s7] =	stream.linear.scatter [tilespmem:s2], [sflag:$0xD], $0x80, $0x38;
	[tilespmem:$0x4A80] =	vst v63  }
0xfe: {  	_ =	swait.ge [sflag:s3], $0x80  }
0xff: {  	[sflag:s3] =	ssyncset.done $0x0  }
0x100: {  	[sflag:s3] =	ssyncadd.s32 $0xFFFFFF80  }
0x101: {  	_ =	sfence.sel $0x180000  }
0x102: {  	[bflag:$0x0] =	sbarrier.arrive $0xFFFF  }
0x103: {  	_ =	strace $0x90000047  }
0x104: {  	s0 =	stileid.u32;
	[bflag:$0x2] =	sbarrier.arrive $0xFFFF  }
0x105: {  	p0 =	sne.s32 s0, $0x0;
	s0 =	rddreg [dreg:$0x7]  }
0x106: {  	s0 =	sadd.s32 @!p0 $0x100000, s0  }
0x107: {  	[sflag:s0] =	ssyncadd.tile.s32 @!p0 $0x1;
	_ =	shalt  }
.Lfunc_end2:
_tile_overlayer_lowered:
.L_overlay_start_2:
0x108: {  	(tag) =	ssettag $0x2  }
0x109: {  	s0 =	rddreg [dreg:$0x0];
	s2 =	stileid.u32  }
0x10a: {  	s1 =	rddreg [dreg:$0x1];
	p0 =	sne.s32 s2, $0x0  }
0x10b: {  	s3 =	rddreg [dreg:$0x2];
	[bflag:$0x3] =	sbarrier.arrive $0xFFFF;
	s2 =	simm.s32 @!p0 $0x1C0D  }
0x10c: {  	[timem:s3], [sflag:s2] =	dma.local @!p0 [hbm:s0], s1  }
0x10d: {  	s0 =	simm.s32 @!p0 $0xD  }
0x10e: {  	_ =	swait.ge @!p0 [sflag:s0], s1  }
0x10f: {  	s1 =	ssub.s32 @!p0 $0x0, s1;
	[sflag:s0] =	ssyncset.done @!p0 $0x0  }
0x110: {  	[sflag:s0] =	ssyncadd.s32 @!p0 s1  }
0x111: {  	[bflag:$0x3] =	sbarrier.arrive $0xFFFF  }
0x112: {  	_ =	shalt  }

</sc_bundles>
